<compile_context>
chip_gen: v7x
topology: tpu7x:2x2x1
jax: 0.10.2.dev20260603
libtpu: 0.0.44.dev20260713+nightly
codegen_flags: <defaults>
</compile_context>

<pallas_src>
import functools

import jax
import jax.numpy as jnp
from jax import lax
from jax.experimental import pallas as pl
from jax.experimental.pallas import tpu as pltpu
from jax.experimental.pallas import tpu_sc as plsc

NC = 2
NS = 16


def _deg_call(ei3, n_pad):
    _, nrow, chunk = ei3.shape
    e = nrow * chunk
    epw = e // (NC * NS)
    nchunk = epw // chunk
    rpt = n_pad // NS

    mesh = plsc.VectorSubcoreMesh(core_axis_name="c", subcore_axis_name="s",
                                  num_cores=NC, num_subcores=NS)

    @functools.partial(
        pl.kernel,
        out_type=jax.ShapeDtypeStruct((NC, n_pad), jnp.float32),
        mesh=mesh,
        compiler_params=pltpu.CompilerParams(use_tc_tiling_on_sc=False),
        scratch_types=[
            pltpu.VMEM((nchunk, chunk), jnp.int32),
            pltpu.VMEM((chunk,), jnp.float32),
            pltpu.VMEM(((rpt + 15) // 16 * 16,), jnp.float32),
            pltpu.VMEM_SHARED((n_pad,), jnp.float32),
        ],
    )
    def degk(ei_hbm, out_hbm, dst_all, ones_v, stage_v, deg_sh):
        c = lax.axis_index("c")
        s = lax.axis_index("s")
        wid = s * NC + c

        pltpu.sync_copy(ei_hbm.at[1, pl.ds(wid * nchunk, nchunk), :], dst_all)

        def fill(i, _):
            ones_v[pl.ds(i * 16, 16)] = jnp.ones((16,), jnp.float32)
            return 0

        lax.fori_loop(0, chunk // 16, fill, 0)

        def fillz(i, _):
            stage_v[pl.ds(i * 16, 16)] = jnp.zeros((16,), jnp.float32)
            return 0

        lax.fori_loop(0, stage_v.shape[0] // 16, fillz, 0)
        pltpu.sync_copy(stage_v.at[pl.ds(0, rpt)],
                        deg_sh.at[pl.ds(s * rpt, rpt)])
        plsc.subcore_barrier()

        def body(k, _):
            pltpu.sync_copy(ones_v, deg_sh.at[dst_all.at[k]], add=True)
            return 0

        lax.fori_loop(0, nchunk, body, 0)
        plsc.subcore_barrier()
        pltpu.sync_copy(deg_sh.at[pl.ds(s * rpt, rpt)],
                        stage_v.at[pl.ds(0, rpt)])
        pltpu.sync_copy(stage_v.at[pl.ds(0, rpt)],
                        out_hbm.at[c, pl.ds(s * rpt, rpt)])

    return degk(ei3)


def _msgpass_call(y, ei3, n_pad):
    n, h = y.shape
    _, nrow, chunk = ei3.shape
    e = nrow * chunk
    epw = e // (NC * NS)
    nchunk = epw // chunk
    npair = (nchunk - 1) // 2
    rpt = n_pad // NS

    mesh = plsc.VectorSubcoreMesh(core_axis_name="c", subcore_axis_name="s",
                                  num_cores=NC, num_subcores=NS)

    @functools.partial(
        pl.kernel,
        out_type=[jax.ShapeDtypeStruct((n_pad, h), jnp.float32),
                  jax.ShapeDtypeStruct((n_pad, h), jnp.float32)],
        mesh=mesh,
        compiler_params=pltpu.CompilerParams(use_tc_tiling_on_sc=False),
        scratch_types=[
            pltpu.VMEM((nchunk, chunk), jnp.int32),
            pltpu.VMEM((nchunk, chunk), jnp.int32),
            pltpu.VMEM((chunk, h), jnp.float32),
            pltpu.VMEM((chunk, h), jnp.float32),
            pltpu.VMEM_SHARED((n_pad, h), jnp.float32),
            pltpu.SemaphoreType.DMA,
            pltpu.SemaphoreType.DMA,
        ],
    )
    def msgk(y_hbm, ei_hbm, out0_hbm, out1_hbm,
             src_all, dst_all, rows_a, rows_b,
             acc_sh, sem_a, sem_b):
        c = lax.axis_index("c")
        s = lax.axis_index("s")
        wid = s * NC + c

        pltpu.sync_copy(ei_hbm.at[0, pl.ds(wid * nchunk, nchunk), :], src_all)
        pltpu.sync_copy(ei_hbm.at[1, pl.ds(wid * nchunk, nchunk), :], dst_all)

        def fz(r, _):
            for j in range(h // 16):
                rows_a[r, pl.ds(j * 16, 16)] = jnp.zeros((16,), jnp.float32)
            return 0

        lax.fori_loop(0, chunk, fz, 0)
        left = rpt
        r0 = s * rpt
        while left > 0:
            m = min(left, chunk)
            pltpu.sync_copy(rows_a.at[pl.ds(0, m)],
                            acc_sh.at[pl.ds(r0, m)])
            r0 += m
            left -= m
        plsc.subcore_barrier()

        def start(k, rows, sem):
            pltpu.async_copy(y_hbm.at[src_all.at[k]], rows, sem)

        def wait_scatter(k, rows, sem):
            pltpu.make_async_copy(y_hbm.at[src_all.at[k]], rows, sem).wait()
            pltpu.sync_copy(rows, acc_sh.at[dst_all.at[k]], add=True)

        start(0, rows_a, sem_a)

        def body(j, _):
            start(2 * j + 1, rows_b, sem_b)
            wait_scatter(2 * j, rows_a, sem_a)
            start(2 * j + 2, rows_a, sem_a)
            wait_scatter(2 * j + 1, rows_b, sem_b)
            return 0

        lax.fori_loop(0, npair, body, 0)
        wait_scatter(nchunk - 1, rows_a, sem_a)

        plsc.subcore_barrier()
        left = rpt
        r0 = s * rpt
        while left > 0:
            m = min(left, chunk)
            pltpu.sync_copy(acc_sh.at[pl.ds(r0, m)],
                            rows_a.at[pl.ds(0, m)])

            @pl.when(c == 0)
            def _():
                pltpu.sync_copy(rows_a.at[pl.ds(0, m)],
                                out0_hbm.at[pl.ds(r0, m)])

            @pl.when(c == 1)
            def _():
                pltpu.sync_copy(rows_a.at[pl.ds(0, m)],
                                out1_hbm.at[pl.ds(r0, m)])

            r0 += m
            left -= m

    return msgk(y, ei3)


def _tc_stage1(x, W1, deg_t):
    n, d_in = x.shape
    h1 = W1.shape[1]
    bm = 2000
    g = n // bm

    def body(x_ref, w_ref, d_ref, y_ref, dis_ref):
        d = d_ref[...]
        dis = lax.rsqrt(d[:, 0:1] + d[:, 1:2] + 1.0)
        xw = jnp.dot(x_ref[...], w_ref[...],
                     preferred_element_type=jnp.float32)
        y_ref[...] = xw * dis
        dis_ref[...] = dis

    return pl.pallas_call(
        body,
        grid=(g,),
        in_specs=[
            pl.BlockSpec((bm, d_in), lambda i: (i, 0)),
            pl.BlockSpec((d_in, h1), lambda i: (0, 0)),
            pl.BlockSpec((bm, 2), lambda i: (i, 0)),
        ],
        out_specs=[
            pl.BlockSpec((bm, h1), lambda i: (i, 0)),
            pl.BlockSpec((bm, 1), lambda i: (i, 0)),
        ],
        out_shape=[
            jax.ShapeDtypeStruct((n, h1), jnp.float32),
            jax.ShapeDtypeStruct((n, 1), jnp.float32),
        ],
    )(x, W1, deg_t)


def _tc_stage2(p0, p1, y1, dis, b1, W2):
    n, h1 = y1.shape
    h2 = W2.shape[1]
    bm = 2000
    g = n // bm

    def body(p0_ref, p1_ref, y_ref, dis_ref, b_ref, w_ref, y2_ref):
        dis = dis_ref[...]
        hh = dis * (p0_ref[...] + p1_ref[...] + y_ref[...]) + b_ref[...]
        hh = jnp.maximum(hh, 0.0)
        y2_ref[...] = dis * jnp.dot(hh, w_ref[...],
                                    preferred_element_type=jnp.float32)

    return pl.pallas_call(
        body,
        grid=(g,),
        in_specs=[
            pl.BlockSpec((bm, h1), lambda i: (i, 0)),
            pl.BlockSpec((bm, h1), lambda i: (i, 0)),
            pl.BlockSpec((bm, h1), lambda i: (i, 0)),
            pl.BlockSpec((bm, 1), lambda i: (i, 0)),
            pl.BlockSpec((1, h1), lambda i: (0, 0)),
            pl.BlockSpec((h1, h2), lambda i: (0, 0)),
        ],
        out_specs=pl.BlockSpec((bm, h2), lambda i: (i, 0)),
        out_shape=jax.ShapeDtypeStruct((n, h2), jnp.float32),
    )(p0, p1, y1, dis, b1, W2)


def _tc_stage3(q0, q1, y2, dis, b2, Wl1, bl1, Wl2, bl2):
    n, h2 = y2.shape
    l2 = Wl2.shape[1]

    def body(q0_ref, q1_ref, y_ref, dis_ref, b2_ref, w1_ref, c1_ref,
             w2_ref, c2_ref, out_ref):
        hh = dis_ref[...] * (q0_ref[...] + q1_ref[...] + y_ref[...]) \
            + b2_ref[...]
        t = jnp.dot(hh, w1_ref[...],
                    preferred_element_type=jnp.float32) + c1_ref[...]
        lg = jnp.dot(t, w2_ref[...],
                     preferred_element_type=jnp.float32) + c2_ref[...]
        m = jnp.max(lg, axis=0, keepdims=True)
        ex = jnp.exp(lg - m)
        sm = jnp.sum(ex, axis=0, keepdims=True)
        out_ref[...] = ex / sm

    h1 = q0.shape[1]
    l1 = Wl1.shape[1]
    return pl.pallas_call(
        body,
        grid=(1,),
        in_specs=[
            pl.BlockSpec((n, h1), lambda i: (0, 0)),
            pl.BlockSpec((n, h1), lambda i: (0, 0)),
            pl.BlockSpec((n, h2), lambda i: (0, 0)),
            pl.BlockSpec((n, 1), lambda i: (0, 0)),
            pl.BlockSpec((1, h2), lambda i: (0, 0)),
            pl.BlockSpec((h2, l1), lambda i: (0, 0)),
            pl.BlockSpec((1, l1), lambda i: (0, 0)),
            pl.BlockSpec((l1, l2), lambda i: (0, 0)),
            pl.BlockSpec((1, l2), lambda i: (0, 0)),
        ],
        out_specs=pl.BlockSpec((n, l2), lambda i: (0, 0)),
        out_shape=jax.ShapeDtypeStruct((n, l2), jnp.float32),
    )(q0, q1, y2, dis, b2, Wl1, bl1, Wl2, bl2)


def kernel(x, edge_index, W1, b1, W2, b2, Wl1, bl1, Wl2, bl2):
    n = x.shape[0]
    h1 = W1.shape[1]
    n_pad = ((n + 16 * 8 - 1) // (16 * 8)) * (16 * 8)

    chunk = 400
    ei3 = edge_index.astype(jnp.int32).reshape(2, -1, chunk)

    deg_p = _deg_call(ei3, n_pad)
    deg_t = jnp.transpose(deg_p)

    y1, dis = _tc_stage1(x, W1, deg_t)

    p0, p1 = _msgpass_call(y1, ei3, n_pad)
    y2 = _tc_stage2(p0, p1, y1, dis, b1.reshape(1, -1), W2)

    q0, q1 = _msgpass_call(y2, ei3, n_pad)
    return _tc_stage3(q0, q1, y2, dis, b2.reshape(1, -1),
                      Wl1, bl1.reshape(1, -1), Wl2, bl2.reshape(1, -1))

# --- scband reference (transcript-rebuilt; emitter-appended) ---
"""Pipeline reference for scband-original-model-4501125726898 (READ-ONLY COPY).

The authoritative reference and input builder live on the scoring server;
editing this copy changes nothing except your own understanding.
"""

import jax, jax.numpy as jnp
import numpy as np

N = 10000
E = 320000
D_IN = 128
H1 = 64
H2 = 64
L1 = 32
L2 = 2


def setup_inputs(seed: int = 0) -> dict:
    key = jax.random.key(seed)
    ks = jax.random.split(key, 10)
    x = jax.random.normal(ks[0], (N, D_IN), dtype=jnp.float32)
    edge_index = jax.random.randint(ks[1], (2, E), 0, N)
    W1 = jax.random.normal(ks[2], (D_IN, H1), dtype=jnp.float32) * 0.05
    b1 = jnp.zeros((H1,), dtype=jnp.float32)
    W2 = jax.random.normal(ks[3], (H1, H2), dtype=jnp.float32) * 0.05
    b2 = jnp.zeros((H2,), dtype=jnp.float32)
    Wl1 = jax.random.normal(ks[4], (H2, L1), dtype=jnp.float32) * 0.05
    bl1 = jnp.zeros((L1,), dtype=jnp.float32)
    Wl2 = jax.random.normal(ks[5], (L1, L2), dtype=jnp.float32) * 0.05
    bl2 = jnp.zeros((L2,), dtype=jnp.float32)
    return {"x": x, "edge_index": edge_index, "W1": W1, "b1": b1,
            "W2": W2, "b2": b2, "Wl1": Wl1, "bl1": bl1, "Wl2": Wl2, "bl2": bl2}


def _gcn_conv(x, edge_index, W, b):
    # GCNConv: D^{-1/2} (A + I) D^{-1/2} X W + b, matching PyG gcn_norm semantics
    n = x.shape[0]
    loops = jnp.arange(n, dtype=edge_index.dtype)
    src = jnp.concatenate([edge_index[0], loops])
    dst = jnp.concatenate([edge_index[1], loops])
    deg = jnp.zeros((n,), dtype=x.dtype).at[dst].add(1.0)
    dis = jnp.where(deg > 0, jax.lax.rsqrt(jnp.maximum(deg, 1e-12)), 0.0)
    norm = dis[src] * dis[dst]
    xw = x @ W
    msg = xw[src] * norm[:, None]
    out = jnp.zeros((n, W.shape[1]), dtype=x.dtype).at[dst].add(msg)
    return out + b


def reference(x, edge_index, W1, b1, W2, b2, Wl1, bl1, Wl2, bl2):
    h = _gcn_conv(x, edge_index, W1, b1)
    h = jax.nn.relu(h)
    # dropout is identity in eval mode (training=False)
    h = _gcn_conv(h, edge_index, W2, b2)
    h = h @ Wl1 + bl1
    h = h @ Wl2 + bl2
    return jax.nn.softmax(h, axis=0)

if __name__ == "__main__":
    import jax
    _d = setup_inputs()
    print(jax.jit(kernel)(*tuple(_d.values())))

</pallas_src>

<mosaic_0001>
#map = affine_map<(d0, d1) -> (0, 0)>
#map1 = affine_map<(d0, d1) -> (0, 0, 0)>
module attributes {stable_mosaic.version = 14 : i64} {
  func.func @msgk(%arg0: i32, %arg1: i32, %arg2: memref<10000x64xf32, #tpu.memory_space<hbm>>, %arg3: memref<2x800x400xi32, #tpu.memory_space<hbm>>, %arg4: memref<10112x64xf32, #tpu.memory_space<hbm>>, %arg5: memref<10112x64xf32, #tpu.memory_space<hbm>>, %arg6: memref<25x400xi32, #tpu.memory_space<vmem>>, %arg7: memref<25x400xi32, #tpu.memory_space<vmem>>, %arg8: memref<400x64xf32, #tpu.memory_space<vmem>>, %arg9: memref<400x64xf32, #tpu.memory_space<vmem>>, %arg10: memref<10112x64xf32, #tpu.memory_space<vmem_shared>>, %arg11: memref<!tpu.dma_semaphore, #tpu.memory_space<semaphore_mem>>, %arg12: memref<!tpu.dma_semaphore, #tpu.memory_space<semaphore_mem>>) attributes {dimension_semantics = [#tpu.dimension_semantics<core_parallel>, #tpu.dimension_semantics<subcore_parallel>], iteration_bounds = array<i64: 2, 16>, scalar_prefetch = 0 : i64, scratch_operands = 7 : i64, tpu.core_type = #tpu.core_type<sc_vector_subcore>, window_params = [{transform_indices = #map}, {transform_indices = #map1}, {transform_indices = #map}, {transform_indices = #map}]} {
    %mul3A = arith.constant 2 : i32
    %mul3A_0 = arith.muli %arg1, %mul3A : i32
    %add3A = arith.addi %mul3A_0, %arg0 : i32
    %mul3A_1 = arith.constant 25 : i32
    %mul3A_2 = arith.muli %add3A, %mul3A_1 : i32
    %run_scoped3A = arith.constant 0 : i32
    "tpu.region"() ({
      %run_scoped3A_62 = tpu.sem_alloc : memref<!tpu.dma_semaphore, #tpu.memory_space<semaphore_mem>>
      %dma_start3A_63 = arith.constant 0 : i32
      %dma_start3A_64 = tpu.memref_slice %arg3[%run_scoped3A, %mul3A_2, %dma_start3A_63] : memref<2x800x400xi32, #tpu.memory_space<hbm>> -> memref<1x25x400xi32, #tpu.memory_space<hbm>>
      %dma_start3A_65 = tpu.memref_squeeze %dma_start3A_64 : memref<1x25x400xi32, #tpu.memory_space<hbm>> -> memref<25x400xi32, #tpu.memory_space<hbm>>
      %dma_start3A_66 = arith.constant 0 : i32
      %dma_start3A_67 = tpu.memref_slice %arg3[%run_scoped3A, %mul3A_2, %dma_start3A_66] : memref<2x800x400xi32, #tpu.memory_space<hbm>> -> memref<1x25x400xi32, #tpu.memory_space<hbm>>
      %dma_start3A_68 = tpu.memref_squeeze %dma_start3A_67 : memref<1x25x400xi32, #tpu.memory_space<hbm>> -> memref<25x400xi32, #tpu.memory_space<hbm>>
      tpu.enqueue_dma source(%dma_start3A_68 : memref<25x400xi32, #tpu.memory_space<hbm>>) target(%arg6 : memref<25x400xi32, #tpu.memory_space<vmem>>) target_semaphore(%run_scoped3A_62 : memref<!tpu.dma_semaphore, #tpu.memory_space<semaphore_mem>>)
      %dma_wait3A_69 = arith.constant 0 : i32
      %dma_wait3A_70 = tpu.memref_slice %arg3[%run_scoped3A, %mul3A_2, %dma_wait3A_69] : memref<2x800x400xi32, #tpu.memory_space<hbm>> -> memref<1x25x400xi32, #tpu.memory_space<hbm>>
      %dma_wait3A_71 = tpu.memref_squeeze %dma_wait3A_70 : memref<1x25x400xi32, #tpu.memory_space<hbm>> -> memref<25x400xi32, #tpu.memory_space<hbm>>
      %dma_wait3A_72 = arith.constant 0 : i32
      %dma_wait3A_73 = tpu.memref_slice %arg3[%run_scoped3A, %mul3A_2, %dma_wait3A_72] : memref<2x800x400xi32, #tpu.memory_space<hbm>> -> memref<1x25x400xi32, #tpu.memory_space<hbm>>
      %dma_wait3A_74 = tpu.memref_squeeze %dma_wait3A_73 : memref<1x25x400xi32, #tpu.memory_space<hbm>> -> memref<25x400xi32, #tpu.memory_space<hbm>>
      tpu.wait_dma2 semaphore(%run_scoped3A_62 : memref<!tpu.dma_semaphore, #tpu.memory_space<semaphore_mem>>) src(%dma_wait3A_74 : memref<25x400xi32, #tpu.memory_space<hbm>>) dst(%arg6 : memref<25x400xi32, #tpu.memory_space<vmem>>)
      tpu.yield
    }) : () -> ()
    %mul3A_3 = arith.constant 25 : i32
    %mul3A_4 = arith.muli %add3A, %mul3A_3 : i32
    %run_scoped3A_5 = arith.constant 1 : i32
    "tpu.region"() ({
      %run_scoped3A_62 = tpu.sem_alloc : memref<!tpu.dma_semaphore, #tpu.memory_space<semaphore_mem>>
      %dma_start3A_63 = arith.constant 0 : i32
      %dma_start3A_64 = tpu.memref_slice %arg3[%run_scoped3A_5, %mul3A_4, %dma_start3A_63] : memref<2x800x400xi32, #tpu.memory_space<hbm>> -> memref<1x25x400xi32, #tpu.memory_space<hbm>>
      %dma_start3A_65 = tpu.memref_squeeze %dma_start3A_64 : memref<1x25x400xi32, #tpu.memory_space<hbm>> -> memref<25x400xi32, #tpu.memory_space<hbm>>
      %dma_start3A_66 = arith.constant 0 : i32
      %dma_start3A_67 = tpu.memref_slice %arg3[%run_scoped3A_5, %mul3A_4, %dma_start3A_66] : memref<2x800x400xi32, #tpu.memory_space<hbm>> -> memref<1x25x400xi32, #tpu.memory_space<hbm>>
      %dma_start3A_68 = tpu.memref_squeeze %dma_start3A_67 : memref<1x25x400xi32, #tpu.memory_space<hbm>> -> memref<25x400xi32, #tpu.memory_space<hbm>>
      tpu.enqueue_dma source(%dma_start3A_68 : memref<25x400xi32, #tpu.memory_space<hbm>>) target(%arg7 : memref<25x400xi32, #tpu.memory_space<vmem>>) target_semaphore(%run_scoped3A_62 : memref<!tpu.dma_semaphore, #tpu.memory_space<semaphore_mem>>)
      %dma_wait3A_69 = arith.constant 0 : i32
      %dma_wait3A_70 = tpu.memref_slice %arg3[%run_scoped3A_5, %mul3A_4, %dma_wait3A_69] : memref<2x800x400xi32, #tpu.memory_space<hbm>> -> memref<1x25x400xi32, #tpu.memory_space<hbm>>
      %dma_wait3A_71 = tpu.memref_squeeze %dma_wait3A_70 : memref<1x25x400xi32, #tpu.memory_space<hbm>> -> memref<25x400xi32, #tpu.memory_space<hbm>>
      %dma_wait3A_72 = arith.constant 0 : i32
      %dma_wait3A_73 = tpu.memref_slice %arg3[%run_scoped3A_5, %mul3A_4, %dma_wait3A_72] : memref<2x800x400xi32, #tpu.memory_space<hbm>> -> memref<1x25x400xi32, #tpu.memory_space<hbm>>
      %dma_wait3A_74 = tpu.memref_squeeze %dma_wait3A_73 : memref<1x25x400xi32, #tpu.memory_space<hbm>> -> memref<25x400xi32, #tpu.memory_space<hbm>>
      tpu.wait_dma2 semaphore(%run_scoped3A_62 : memref<!tpu.dma_semaphore, #tpu.memory_space<semaphore_mem>>) src(%dma_wait3A_74 : memref<25x400xi32, #tpu.memory_space<hbm>>) dst(%arg7 : memref<25x400xi32, #tpu.memory_space<vmem>>)
      tpu.yield
    }) : () -> ()
    %scan3A = arith.constant 0 : i32
    %scan3A_6 = arith.constant 0 : i32
    %scan3A_7 = arith.constant 400 : i32
    %scan3A_8 = arith.addi %scan3A_6, %scan3A_7 : i32
    %scan3A_9 = arith.constant 1 : i32
    %scan3A_10 = scf.for %scan3A_62 = %scan3A_6 to %scan3A_8 step %scan3A_9 iter_args(%scan3A_63 = %scan3A) -> (i32)  : i32 {
      %broadcast_in_dim3A = arith.constant 0.000000e+00 : f32
      %broadcast_in_dim3A_64 = vector.broadcast %broadcast_in_dim3A : f32 to vector<16xf32>
      %swap3A = arith.index_cast %scan3A_62 : i32 to index
      %swap3A_65 = arith.constant 0 : index
      %swap3A_66 = tpu.vector_load %arg8[%swap3A, %swap3A_65] {strides = array<i32>} : memref<400x64xf32, #tpu.memory_space<vmem>>, vector<1x16xf32>,
      %swap3A_67 = vector.shape_cast %swap3A_66 : vector<1x16xf32> to vector<16xf32>
      %swap3A_68 = vector.shape_cast %broadcast_in_dim3A_64 : vector<16xf32> to vector<1x16xf32>
      tpu.vector_store %arg8[%swap3A, %swap3A_65], %swap3A_68 {strides = array<i32>} : memref<400x64xf32, #tpu.memory_space<vmem>>, vector<1x16xf32>,
      %broadcast_in_dim3A_69 = arith.constant 0.000000e+00 : f32
      %broadcast_in_dim3A_70 = vector.broadcast %broadcast_in_dim3A_69 : f32 to vector<16xf32>
      %swap3A_71 = arith.index_cast %scan3A_62 : i32 to index
      %swap3A_72 = arith.constant 16 : index
      %swap3A_73 = tpu.vector_load %arg8[%swap3A_71, %swap3A_72] {strides = array<i32>} : memref<400x64xf32, #tpu.memory_space<vmem>>, vector<1x16xf32>,
      %swap3A_74 = vector.shape_cast %swap3A_73 : vector<1x16xf32> to vector<16xf32>
      %swap3A_75 = vector.shape_cast %broadcast_in_dim3A_70 : vector<16xf32> to vector<1x16xf32>
      tpu.vector_store %arg8[%swap3A_71, %swap3A_72], %swap3A_75 {strides = array<i32>} : memref<400x64xf32, #tpu.memory_space<vmem>>, vector<1x16xf32>,
      %broadcast_in_dim3A_76 = arith.constant 0.000000e+00 : f32
      %broadcast_in_dim3A_77 = vector.broadcast %broadcast_in_dim3A_76 : f32 to vector<16xf32>
      %swap3A_78 = arith.index_cast %scan3A_62 : i32 to index
      %swap3A_79 = arith.constant 32 : index
      %swap3A_80 = tpu.vector_load %arg8[%swap3A_78, %swap3A_79] {strides = array<i32>} : memref<400x64xf32, #tpu.memory_space<vmem>>, vector<1x16xf32>,
      %swap3A_81 = vector.shape_cast %swap3A_80 : vector<1x16xf32> to vector<16xf32>
      %swap3A_82 = vector.shape_cast %broadcast_in_dim3A_77 : vector<16xf32> to vector<1x16xf32>
      tpu.vector_store %arg8[%swap3A_78, %swap3A_79], %swap3A_82 {strides = array<i32>} : memref<400x64xf32, #tpu.memory_space<vmem>>, vector<1x16xf32>,
      %broadcast_in_dim3A_83 = arith.constant 0.000000e+00 : f32
      %broadcast_in_dim3A_84 = vector.broadcast %broadcast_in_dim3A_83 : f32 to vector<16xf32>
      %swap3A_85 = arith.index_cast %scan3A_62 : i32 to index
      %swap3A_86 = arith.constant 48 : index
      %swap3A_87 = tpu.vector_load %arg8[%swap3A_85, %swap3A_86] {strides = array<i32>} : memref<400x64xf32, #tpu.memory_space<vmem>>, vector<1x16xf32>,
      %swap3A_88 = vector.shape_cast %swap3A_87 : vector<1x16xf32> to vector<16xf32>
      %swap3A_89 = vector.shape_cast %broadcast_in_dim3A_84 : vector<16xf32> to vector<1x16xf32>
      tpu.vector_store %arg8[%swap3A_85, %swap3A_86], %swap3A_89 {strides = array<i32>} : memref<400x64xf32, #tpu.memory_space<vmem>>, vector<1x16xf32>,
      %scan3A_90 = arith.constant 0 : i32
      scf.yield %scan3A_90 : i32
    }
    %scan3A_11 = arith.constant 400 : i32
    %mul3A_12 = arith.constant 632 : i32
    %mul3A_13 = arith.muli %arg1, %mul3A_12 : i32
    "tpu.region"() ({
      %run_scoped3A_62 = tpu.sem_alloc : memref<!tpu.dma_semaphore, #tpu.memory_space<semaphore_mem>>
      %dma_start3A_63 = arith.constant 0 : i32
      %dma_start3A_64 = arith.constant 0 : i32
      %dma_start3A_65 = tpu.memref_slice %arg8[%dma_start3A_63, %dma_start3A_64] : memref<400x64xf32, #tpu.memory_space<vmem>> -> memref<400x64xf32, #tpu.memory_space<vmem>>
      %dma_start3A_66 = arith.constant 0 : i32
      %dma_start3A_67 = tpu.memref_slice %arg10[%mul3A_13, %dma_start3A_66] : memref<10112x64xf32, #tpu.memory_space<vmem_shared>> -> memref<400x64xf32, #tpu.memory_space<vmem_shared>>
      %dma_start3A_68 = arith.constant 0 : i32
      %dma_start3A_69 = tpu.memref_slice %arg10[%mul3A_13, %dma_start3A_68] : memref<10112x64xf32, #tpu.memory_space<vmem_shared>> -> memref<400x64xf32, #tpu.memory_space<vmem_shared>>
      %dma_start3A_70 = arith.constant 0 : i32
      %dma_start3A_71 = arith.constant 0 : i32
      %dma_start3A_72 = tpu.memref_slice %arg8[%dma_start3A_70, %dma_start3A_71] : memref<400x64xf32, #tpu.memory_space<vmem>> -> memref<400x64xf32, #tpu.memory_space<vmem>>
      tpu.enqueue_dma source(%dma_start3A_72 : memref<400x64xf32, #tpu.memory_space<vmem>>) target(%dma_start3A_69 : memref<400x64xf32, #tpu.memory_space<vmem_shared>>) target_semaphore(%run_scoped3A_62 : memref<!tpu.dma_semaphore, #tpu.memory_space<semaphore_mem>>)
      %dma_wait3A_73 = arith.constant 0 : i32
      %dma_wait3A_74 = arith.constant 0 : i32
      %dma_wait3A_75 = tpu.memref_slice %arg8[%dma_wait3A_73, %dma_wait3A_74] : memref<400x64xf32, #tpu.memory_space<vmem>> -> memref<400x64xf32, #tpu.memory_space<vmem>>
      %dma_wait3A_76 = arith.constant 0 : i32
      %dma_wait3A_77 = tpu.memref_slice %arg10[%mul3A_13, %dma_wait3A_76] : memref<10112x64xf32, #tpu.memory_space<vmem_shared>> -> memref<400x64xf32, #tpu.memory_space<vmem_shared>>
      %dma_wait3A_78 = arith.constant 0 : i32
      %dma_wait3A_79 = tpu.memref_slice %arg10[%mul3A_13, %dma_wait3A_78] : memref<10112x64xf32, #tpu.memory_space<vmem_shared>> -> memref<400x64xf32, #tpu.memory_space<vmem_shared>>
      %dma_wait3A_80 = arith.constant 0 : i32
      %dma_wait3A_81 = arith.constant 0 : i32
      %dma_wait3A_82 = tpu.memref_slice %arg8[%dma_wait3A_80, %dma_wait3A_81] : memref<400x64xf32, #tpu.memory_space<vmem>> -> memref<400x64xf32, #tpu.memory_space<vmem>>
      tpu.wait_dma2 semaphore(%run_scoped3A_62 : memref<!tpu.dma_semaphore, #tpu.memory_space<semaphore_mem>>) src(%dma_wait3A_82 : memref<400x64xf32, #tpu.memory_space<vmem>>) dst(%dma_wait3A_79 : memref<400x64xf32, #tpu.memory_space<vmem_shared>>)
      tpu.yield
    }) : () -> ()
    %add3A_14 = arith.constant 400 : i32
    %add3A_15 = arith.addi %mul3A_13, %add3A_14 : i32
    "tpu.region"() ({
      %run_scoped3A_62 = tpu.sem_alloc : memref<!tpu.dma_semaphore, #tpu.memory_space<semaphore_mem>>
      %dma_start3A_63 = arith.constant 0 : i32
      %dma_start3A_64 = arith.constant 0 : i32
      %dma_start3A_65 = tpu.memref_slice %arg8[%dma_start3A_63, %dma_start3A_64] : memref<400x64xf32, #tpu.memory_space<vmem>> -> memref<232x64xf32, #tpu.memory_space<vmem>>
      %dma_start3A_66 = arith.constant 0 : i32
      %dma_start3A_67 = tpu.memref_slice %arg10[%add3A_15, %dma_start3A_66] : memref<10112x64xf32, #tpu.memory_space<vmem_shared>> -> memref<232x64xf32, #tpu.memory_space<vmem_shared>>
      %dma_start3A_68 = arith.constant 0 : i32
      %dma_start3A_69 = tpu.memref_slice %arg10[%add3A_15, %dma_start3A_68] : memref<10112x64xf32, #tpu.memory_space<vmem_shared>> -> memref<232x64xf32, #tpu.memory_space<vmem_shared>>
      %dma_start3A_70 = arith.constant 0 : i32
      %dma_start3A_71 = arith.constant 0 : i32
      %dma_start3A_72 = tpu.memref_slice %arg8[%dma_start3A_70, %dma_start3A_71] : memref<400x64xf32, #tpu.memory_space<vmem>> -> memref<232x64xf32, #tpu.memory_space<vmem>>
      tpu.enqueue_dma source(%dma_start3A_72 : memref<232x64xf32, #tpu.memory_space<vmem>>) target(%dma_start3A_69 : memref<232x64xf32, #tpu.memory_space<vmem_shared>>) target_semaphore(%run_scoped3A_62 : memref<!tpu.dma_semaphore, #tpu.memory_space<semaphore_mem>>)
      %dma_wait3A_73 = arith.constant 0 : i32
      %dma_wait3A_74 = arith.constant 0 : i32
      %dma_wait3A_75 = tpu.memref_slice %arg8[%dma_wait3A_73, %dma_wait3A_74] : memref<400x64xf32, #tpu.memory_space<vmem>> -> memref<232x64xf32, #tpu.memory_space<vmem>>
      %dma_wait3A_76 = arith.constant 0 : i32
      %dma_wait3A_77 = tpu.memref_slice %arg10[%add3A_15, %dma_wait3A_76] : memref<10112x64xf32, #tpu.memory_space<vmem_shared>> -> memref<232x64xf32, #tpu.memory_space<vmem_shared>>
      %dma_wait3A_78 = arith.constant 0 : i32
      %dma_wait3A_79 = tpu.memref_slice %arg10[%add3A_15, %dma_wait3A_78] : memref<10112x64xf32, #tpu.memory_space<vmem_shared>> -> memref<232x64xf32, #tpu.memory_space<vmem_shared>>
      %dma_wait3A_80 = arith.constant 0 : i32
      %dma_wait3A_81 = arith.constant 0 : i32
      %dma_wait3A_82 = tpu.memref_slice %arg8[%dma_wait3A_80, %dma_wait3A_81] : memref<400x64xf32, #tpu.memory_space<vmem>> -> memref<232x64xf32, #tpu.memory_space<vmem>>
      tpu.wait_dma2 semaphore(%run_scoped3A_62 : memref<!tpu.dma_semaphore, #tpu.memory_space<semaphore_mem>>) src(%dma_wait3A_82 : memref<232x64xf32, #tpu.memory_space<vmem>>) dst(%dma_wait3A_79 : memref<232x64xf32, #tpu.memory_space<vmem_shared>>)
      tpu.yield
    }) : () -> ()
    %add3A_16 = arith.constant 232 : i32
    %add3A_17 = arith.addi %add3A_15, %add3A_16 : i32
    %barrier3A = arith.constant 0 : index
    tpu.barrier barrier_id(%barrier3A)
    %dma_start3A = arith.constant 0 : i32
    %dma_start3A_18 = arith.constant 0 : i32
    %dma_start3A_19 = tpu.memref_slice %arg6[%dma_start3A, %dma_start3A_18] : memref<25x400xi32, #tpu.memory_space<vmem>> -> memref<1x400xi32, #tpu.memory_space<vmem>>
    %dma_start3A_20 = tpu.memref_squeeze %dma_start3A_19 : memref<1x400xi32, #tpu.memory_space<vmem>> -> memref<400xi32, #tpu.memory_space<vmem>>
    %dma_start3A_21 = arith.constant 0 : i32
    %dma_start3A_22 = arith.constant 0 : i32
    %dma_start3A_23 = tpu.memref_slice %arg2[%dma_start3A_21, %dma_start3A_22] : memref<10000x64xf32, #tpu.memory_space<hbm>> -> memref<10000x64xf32, #tpu.memory_space<hbm>>
    tpu.enqueue_indirect_dma source(%dma_start3A_23 : memref<10000x64xf32, #tpu.memory_space<hbm>>) target(%arg8 : memref<400x64xf32, #tpu.memory_space<vmem>>) offsets(%dma_start3A_20 : memref<400xi32, #tpu.memory_space<vmem>>) semaphore(%arg11 : memref<!tpu.dma_semaphore, #tpu.memory_space<semaphore_mem>>)
    %scan3A_24 = arith.constant 0 : i32
    %scan3A_25 = arith.constant 0 : i32
    %scan3A_26 = arith.constant 12 : i32
    %scan3A_27 = arith.addi %scan3A_25, %scan3A_26 : i32
    %scan3A_28 = arith.constant 1 : i32
    %scan3A_29 = scf.for %scan3A_62 = %scan3A_25 to %scan3A_27 step %scan3A_28 iter_args(%scan3A_63 = %scan3A_24) -> (i32)  : i32 {
      %mul3A_64 = arith.constant 2 : i32
      %mul3A_65 = arith.muli %mul3A_64, %scan3A_62 : i32
      %add3A_66 = arith.constant 1 : i32
      %add3A_67 = arith.addi %mul3A_65, %add3A_66 : i32
      %dma_start3A_68 = arith.constant 0 : i32
      %dma_start3A_69 = tpu.memref_slice %arg6[%add3A_67, %dma_start3A_68] : memref<25x400xi32, #tpu.memory_space<vmem>> -> memref<1x400xi32, #tpu.memory_space<vmem>>
      %dma_start3A_70 = tpu.memref_squeeze %dma_start3A_69 : memref<1x400xi32, #tpu.memory_space<vmem>> -> memref<400xi32, #tpu.memory_space<vmem>>
      %dma_start3A_71 = arith.constant 0 : i32
      %dma_start3A_72 = arith.constant 0 : i32
      %dma_start3A_73 = tpu.memref_slice %arg2[%dma_start3A_71, %dma_start3A_72] : memref<10000x64xf32, #tpu.memory_space<hbm>> -> memref<10000x64xf32, #tpu.memory_space<hbm>>
      tpu.enqueue_indirect_dma source(%dma_start3A_73 : memref<10000x64xf32, #tpu.memory_space<hbm>>) target(%arg9 : memref<400x64xf32, #tpu.memory_space<vmem>>) offsets(%dma_start3A_70 : memref<400xi32, #tpu.memory_space<vmem>>) semaphore(%arg12 : memref<!tpu.dma_semaphore, #tpu.memory_space<semaphore_mem>>)
      %mul3A_74 = arith.constant 2 : i32
      %mul3A_75 = arith.muli %mul3A_74, %scan3A_62 : i32
      %dma_wait3A_76 = arith.constant 0 : i32
      %dma_wait3A_77 = tpu.memref_slice %arg6[%mul3A_75, %dma_wait3A_76] : memref<25x400xi32, #tpu.memory_space<vmem>> -> memref<1x400xi32, #tpu.memory_space<vmem>>
      %dma_wait3A_78 = tpu.memref_squeeze %dma_wait3A_77 : memref<1x400xi32, #tpu.memory_space<vmem>> -> memref<400xi32, #tpu.memory_space<vmem>>
      %dma_wait3A_79 = arith.constant 0 : i32
      %dma_wait3A_80 = arith.constant 0 : i32
      %dma_wait3A_81 = tpu.memref_slice %arg2[%dma_wait3A_79, %dma_wait3A_80] : memref<10000x64xf32, #tpu.memory_space<hbm>> -> memref<10000x64xf32, #tpu.memory_space<hbm>>
      tpu.wait_indirect_dma semaphore(%arg11 : memref<!tpu.dma_semaphore, #tpu.memory_space<semaphore_mem>>) src(%dma_wait3A_81 : memref<10000x64xf32, #tpu.memory_space<hbm>>) dst(%arg8 : memref<400x64xf32, #tpu.memory_space<vmem>>)
      "tpu.region"() ({
        %run_scoped3A_103 = tpu.sem_alloc : memref<!tpu.dma_semaphore, #tpu.memory_space<semaphore_mem>>
        %dma_start3A_104 = arith.constant 0 : i32
        %dma_start3A_105 = tpu.memref_slice %arg7[%mul3A_75, %dma_start3A_104] : memref<25x400xi32, #tpu.memory_space<vmem>> -> memref<1x400xi32, #tpu.memory_space<vmem>>
        %dma_start3A_106 = tpu.memref_squeeze %dma_start3A_105 : memref<1x400xi32, #tpu.memory_space<vmem>> -> memref<400xi32, #tpu.memory_space<vmem>>
        %dma_start3A_107 = arith.constant 0 : i32
        %dma_start3A_108 = arith.constant 0 : i32
        %dma_start3A_109 = tpu.memref_slice %arg10[%dma_start3A_107, %dma_start3A_108] : memref<10112x64xf32, #tpu.memory_space<vmem_shared>> -> memref<10112x64xf32, #tpu.memory_space<vmem_shared>>
        tpu.enqueue_indirect_dma source(%arg8 : memref<400x64xf32, #tpu.memory_space<vmem>>) target(%dma_start3A_109 : memref<10112x64xf32, #tpu.memory_space<vmem_shared>>) offsets(%dma_start3A_106 : memref<400xi32, #tpu.memory_space<vmem>>) semaphore(%run_scoped3A_103 : memref<!tpu.dma_semaphore, #tpu.memory_space<semaphore_mem>>) {add = true}
        %dma_wait3A_110 = arith.constant 0 : i32
        %dma_wait3A_111 = tpu.memref_slice %arg7[%mul3A_75, %dma_wait3A_110] : memref<25x400xi32, #tpu.memory_space<vmem>> -> memref<1x400xi32, #tpu.memory_space<vmem>>
        %dma_wait3A_112 = tpu.memref_squeeze %dma_wait3A_111 : memref<1x400xi32, #tpu.memory_space<vmem>> -> memref<400xi32, #tpu.memory_space<vmem>>
        %dma_wait3A_113 = arith.constant 0 : i32
        %dma_wait3A_114 = arith.constant 0 : i32
        %dma_wait3A_115 = tpu.memref_slice %arg10[%dma_wait3A_113, %dma_wait3A_114] : memref<10112x64xf32, #tpu.memory_space<vmem_shared>> -> memref<10112x64xf32, #tpu.memory_space<vmem_shared>>
        tpu.wait_indirect_dma semaphore(%run_scoped3A_103 : memref<!tpu.dma_semaphore, #tpu.memory_space<semaphore_mem>>) src(%arg8 : memref<400x64xf32, #tpu.memory_space<vmem>>) dst(%dma_wait3A_115 : memref<10112x64xf32, #tpu.memory_space<vmem_shared>>)
        tpu.yield
      }) : () -> ()
      %mul3A_82 = arith.constant 2 : i32
      %mul3A_83 = arith.muli %mul3A_82, %scan3A_62 : i32
      %add3A_84 = arith.constant 2 : i32
      %add3A_85 = arith.addi %mul3A_83, %add3A_84 : i32
      %dma_start3A_86 = arith.constant 0 : i32
      %dma_start3A_87 = tpu.memref_slice %arg6[%add3A_85, %dma_start3A_86] : memref<25x400xi32, #tpu.memory_space<vmem>> -> memref<1x400xi32, #tpu.memory_space<vmem>>
      %dma_start3A_88 = tpu.memref_squeeze %dma_start3A_87 : memref<1x400xi32, #tpu.memory_space<vmem>> -> memref<400xi32, #tpu.memory_space<vmem>>
      %dma_start3A_89 = arith.constant 0 : i32
      %dma_start3A_90 = arith.constant 0 : i32
      %dma_start3A_91 = tpu.memref_slice %arg2[%dma_start3A_89, %dma_start3A_90] : memref<10000x64xf32, #tpu.memory_space<hbm>> -> memref<10000x64xf32, #tpu.memory_space<hbm>>
      tpu.enqueue_indirect_dma source(%dma_start3A_91 : memref<10000x64xf32, #tpu.memory_space<hbm>>) target(%arg8 : memref<400x64xf32, #tpu.memory_space<vmem>>) offsets(%dma_start3A_88 : memref<400xi32, #tpu.memory_space<vmem>>) semaphore(%arg11 : memref<!tpu.dma_semaphore, #tpu.memory_space<semaphore_mem>>)
      %mul3A_92 = arith.constant 2 : i32
      %mul3A_93 = arith.muli %mul3A_92, %scan3A_62 : i32
      %add3A_94 = arith.constant 1 : i32
      %add3A_95 = arith.addi %mul3A_93, %add3A_94 : i32
      %dma_wait3A_96 = arith.constant 0 : i32
      %dma_wait3A_97 = tpu.memref_slice %arg6[%add3A_95, %dma_wait3A_96] : memref<25x400xi32, #tpu.memory_space<vmem>> -> memref<1x400xi32, #tpu.memory_space<vmem>>
      %dma_wait3A_98 = tpu.memref_squeeze %dma_wait3A_97 : memref<1x400xi32, #tpu.memory_space<vmem>> -> memref<400xi32, #tpu.memory_space<vmem>>
      %dma_wait3A_99 = arith.constant 0 : i32
      %dma_wait3A_100 = arith.constant 0 : i32
      %dma_wait3A_101 = tpu.memref_slice %arg2[%dma_wait3A_99, %dma_wait3A_100] : memref<10000x64xf32, #tpu.memory_space<hbm>> -> memref<10000x64xf32, #tpu.memory_space<hbm>>
      tpu.wait_indirect_dma semaphore(%arg12 : memref<!tpu.dma_semaphore, #tpu.memory_space<semaphore_mem>>) src(%dma_wait3A_101 : memref<10000x64xf32, #tpu.memory_space<hbm>>) dst(%arg9 : memref<400x64xf32, #tpu.memory_space<vmem>>)
      "tpu.region"() ({
        %run_scoped3A_103 = tpu.sem_alloc : memref<!tpu.dma_semaphore, #tpu.memory_space<semaphore_mem>>
        %dma_start3A_104 = arith.constant 0 : i32
        %dma_start3A_105 = tpu.memref_slice %arg7[%add3A_95, %dma_start3A_104] : memref<25x400xi32, #tpu.memory_space<vmem>> -> memref<1x400xi32, #tpu.memory_space<vmem>>
        %dma_start3A_106 = tpu.memref_squeeze %dma_start3A_105 : memref<1x400xi32, #tpu.memory_space<vmem>> -> memref<400xi32, #tpu.memory_space<vmem>>
        %dma_start3A_107 = arith.constant 0 : i32
        %dma_start3A_108 = arith.constant 0 : i32
        %dma_start3A_109 = tpu.memref_slice %arg10[%dma_start3A_107, %dma_start3A_108] : memref<10112x64xf32, #tpu.memory_space<vmem_shared>> -> memref<10112x64xf32, #tpu.memory_space<vmem_shared>>
        tpu.enqueue_indirect_dma source(%arg9 : memref<400x64xf32, #tpu.memory_space<vmem>>) target(%dma_start3A_109 : memref<10112x64xf32, #tpu.memory_space<vmem_shared>>) offsets(%dma_start3A_106 : memref<400xi32, #tpu.memory_space<vmem>>) semaphore(%run_scoped3A_103 : memref<!tpu.dma_semaphore, #tpu.memory_space<semaphore_mem>>) {add = true}
        %dma_wait3A_110 = arith.constant 0 : i32
        %dma_wait3A_111 = tpu.memref_slice %arg7[%add3A_95, %dma_wait3A_110] : memref<25x400xi32, #tpu.memory_space<vmem>> -> memref<1x400xi32, #tpu.memory_space<vmem>>
        %dma_wait3A_112 = tpu.memref_squeeze %dma_wait3A_111 : memref<1x400xi32, #tpu.memory_space<vmem>> -> memref<400xi32, #tpu.memory_space<vmem>>
        %dma_wait3A_113 = arith.constant 0 : i32
        %dma_wait3A_114 = arith.constant 0 : i32
        %dma_wait3A_115 = tpu.memref_slice %arg10[%dma_wait3A_113, %dma_wait3A_114] : memref<10112x64xf32, #tpu.memory_space<vmem_shared>> -> memref<10112x64xf32, #tpu.memory_space<vmem_shared>>
        tpu.wait_indirect_dma semaphore(%run_scoped3A_103 : memref<!tpu.dma_semaphore, #tpu.memory_space<semaphore_mem>>) src(%arg9 : memref<400x64xf32, #tpu.memory_space<vmem>>) dst(%dma_wait3A_115 : memref<10112x64xf32, #tpu.memory_space<vmem_shared>>)
        tpu.yield
      }) : () -> ()
      %scan3A_102 = arith.constant 0 : i32
      scf.yield %scan3A_102 : i32
    }
    %scan3A_30 = arith.constant 12 : i32
    %dma_wait3A = arith.constant 24 : i32
    %dma_wait3A_31 = arith.constant 0 : i32
    %dma_wait3A_32 = tpu.memref_slice %arg6[%dma_wait3A, %dma_wait3A_31] : memref<25x400xi32, #tpu.memory_space<vmem>> -> memref<1x400xi32, #tpu.memory_space<vmem>>
    %dma_wait3A_33 = tpu.memref_squeeze %dma_wait3A_32 : memref<1x400xi32, #tpu.memory_space<vmem>> -> memref<400xi32, #tpu.memory_space<vmem>>
    %dma_wait3A_34 = arith.constant 0 : i32
    %dma_wait3A_35 = arith.constant 0 : i32
    %dma_wait3A_36 = tpu.memref_slice %arg2[%dma_wait3A_34, %dma_wait3A_35] : memref<10000x64xf32, #tpu.memory_space<hbm>> -> memref<10000x64xf32, #tpu.memory_space<hbm>>
    tpu.wait_indirect_dma semaphore(%arg11 : memref<!tpu.dma_semaphore, #tpu.memory_space<semaphore_mem>>) src(%dma_wait3A_36 : memref<10000x64xf32, #tpu.memory_space<hbm>>) dst(%arg8 : memref<400x64xf32, #tpu.memory_space<vmem>>)
    %run_scoped3A_37 = arith.constant 24 : i32
    "tpu.region"() ({
      %run_scoped3A_62 = tpu.sem_alloc : memref<!tpu.dma_semaphore, #tpu.memory_space<semaphore_mem>>
      %dma_start3A_63 = arith.constant 0 : i32
      %dma_start3A_64 = tpu.memref_slice %arg7[%run_scoped3A_37, %dma_start3A_63] : memref<25x400xi32, #tpu.memory_space<vmem>> -> memref<1x400xi32, #tpu.memory_space<vmem>>
      %dma_start3A_65 = tpu.memref_squeeze %dma_start3A_64 : memref<1x400xi32, #tpu.memory_space<vmem>> -> memref<400xi32, #tpu.memory_space<vmem>>
      %dma_start3A_66 = arith.constant 0 : i32
      %dma_start3A_67 = arith.constant 0 : i32
      %dma_start3A_68 = tpu.memref_slice %arg10[%dma_start3A_66, %dma_start3A_67] : memref<10112x64xf32, #tpu.memory_space<vmem_shared>> -> memref<10112x64xf32, #tpu.memory_space<vmem_shared>>
      tpu.enqueue_indirect_dma source(%arg8 : memref<400x64xf32, #tpu.memory_space<vmem>>) target(%dma_start3A_68 : memref<10112x64xf32, #tpu.memory_space<vmem_shared>>) offsets(%dma_start3A_65 : memref<400xi32, #tpu.memory_space<vmem>>) semaphore(%run_scoped3A_62 : memref<!tpu.dma_semaphore, #tpu.memory_space<semaphore_mem>>) {add = true}
      %dma_wait3A_69 = arith.constant 0 : i32
      %dma_wait3A_70 = tpu.memref_slice %arg7[%run_scoped3A_37, %dma_wait3A_69] : memref<25x400xi32, #tpu.memory_space<vmem>> -> memref<1x400xi32, #tpu.memory_space<vmem>>
      %dma_wait3A_71 = tpu.memref_squeeze %dma_wait3A_70 : memref<1x400xi32, #tpu.memory_space<vmem>> -> memref<400xi32, #tpu.memory_space<vmem>>
      %dma_wait3A_72 = arith.constant 0 : i32
      %dma_wait3A_73 = arith.constant 0 : i32
      %dma_wait3A_74 = tpu.memref_slice %arg10[%dma_wait3A_72, %dma_wait3A_73] : memref<10112x64xf32, #tpu.memory_space<vmem_shared>> -> memref<10112x64xf32, #tpu.memory_space<vmem_shared>>
      tpu.wait_indirect_dma semaphore(%run_scoped3A_62 : memref<!tpu.dma_semaphore, #tpu.memory_space<semaphore_mem>>) src(%arg8 : memref<400x64xf32, #tpu.memory_space<vmem>>) dst(%dma_wait3A_74 : memref<10112x64xf32, #tpu.memory_space<vmem_shared>>)
      tpu.yield
    }) : () -> ()
    %barrier3A_38 = arith.constant 0 : index
    tpu.barrier barrier_id(%barrier3A_38)
    %mul3A_39 = arith.constant 632 : i32
    %mul3A_40 = arith.muli %arg1, %mul3A_39 : i32
    "tpu.region"() ({
      %run_scoped3A_62 = tpu.sem_alloc : memref<!tpu.dma_semaphore, #tpu.memory_space<semaphore_mem>>
      %dma_start3A_63 = arith.constant 0 : i32
      %dma_start3A_64 = arith.constant 0 : i32
      %dma_start3A_65 = tpu.memref_slice %arg8[%dma_start3A_63, %dma_start3A_64] : memref<400x64xf32, #tpu.memory_space<vmem>> -> memref<400x64xf32, #tpu.memory_space<vmem>>
      %dma_start3A_66 = arith.constant 0 : i32
      %dma_start3A_67 = tpu.memref_slice %arg10[%mul3A_40, %dma_start3A_66] : memref<10112x64xf32, #tpu.memory_space<vmem_shared>> -> memref<400x64xf32, #tpu.memory_space<vmem_shared>>
      %dma_start3A_68 = arith.constant 0 : i32
      %dma_start3A_69 = arith.constant 0 : i32
      %dma_start3A_70 = tpu.memref_slice %arg8[%dma_start3A_68, %dma_start3A_69] : memref<400x64xf32, #tpu.memory_space<vmem>> -> memref<400x64xf32, #tpu.memory_space<vmem>>
      %dma_start3A_71 = arith.constant 0 : i32
      %dma_start3A_72 = tpu.memref_slice %arg10[%mul3A_40, %dma_start3A_71] : memref<10112x64xf32, #tpu.memory_space<vmem_shared>> -> memref<400x64xf32, #tpu.memory_space<vmem_shared>>
      tpu.enqueue_dma source(%dma_start3A_72 : memref<400x64xf32, #tpu.memory_space<vmem_shared>>) target(%dma_start3A_70 : memref<400x64xf32, #tpu.memory_space<vmem>>) target_semaphore(%run_scoped3A_62 : memref<!tpu.dma_semaphore, #tpu.memory_space<semaphore_mem>>)
      %dma_wait3A_73 = arith.constant 0 : i32
      %dma_wait3A_74 = arith.constant 0 : i32
      %dma_wait3A_75 = tpu.memref_slice %arg8[%dma_wait3A_73, %dma_wait3A_74] : memref<400x64xf32, #tpu.memory_space<vmem>> -> memref<400x64xf32, #tpu.memory_space<vmem>>
      %dma_wait3A_76 = arith.constant 0 : i32
      %dma_wait3A_77 = tpu.memref_slice %arg10[%mul3A_40, %dma_wait3A_76] : memref<10112x64xf32, #tpu.memory_space<vmem_shared>> -> memref<400x64xf32, #tpu.memory_space<vmem_shared>>
      %dma_wait3A_78 = arith.constant 0 : i32
      %dma_wait3A_79 = arith.constant 0 : i32
      %dma_wait3A_80 = tpu.memref_slice %arg8[%dma_wait3A_78, %dma_wait3A_79] : memref<400x64xf32, #tpu.memory_space<vmem>> -> memref<400x64xf32, #tpu.memory_space<vmem>>
      %dma_wait3A_81 = arith.constant 0 : i32
      %dma_wait3A_82 = tpu.memref_slice %arg10[%mul3A_40, %dma_wait3A_81] : memref<10112x64xf32, #tpu.memory_space<vmem_shared>> -> memref<400x64xf32, #tpu.memory_space<vmem_shared>>
      tpu.wait_dma2 semaphore(%run_scoped3A_62 : memref<!tpu.dma_semaphore, #tpu.memory_space<semaphore_mem>>) src(%dma_wait3A_82 : memref<400x64xf32, #tpu.memory_space<vmem_shared>>) dst(%dma_wait3A_80 : memref<400x64xf32, #tpu.memory_space<vmem>>)
      tpu.yield
    }) : () -> ()
    %eq3A = arith.constant 0 : i32
    %eq3A_41 = arith.cmpi eq, %arg0, %eq3A : i32
    %convert_element_type3A = arith.extui %eq3A_41 : i1 to i32
    %cond3A = arith.constant 0 : i32
    %cond3A_42 = arith.cmpi ne, %convert_element_type3A, %cond3A : i32
    scf.if %cond3A_42 {
      "tpu.region"() ({
        %run_scoped3A_62 = tpu.sem_alloc : memref<!tpu.dma_semaphore, #tpu.memory_space<semaphore_mem>>
        %dma_start3A_63 = arith.constant 0 : i32
        %dma_start3A_64 = arith.constant 0 : i32
        %dma_start3A_65 = tpu.memref_slice %arg8[%dma_start3A_63, %dma_start3A_64] : memref<400x64xf32, #tpu.memory_space<vmem>> -> memref<400x64xf32, #tpu.memory_space<vmem>>
        %dma_start3A_66 = arith.constant 0 : i32
        %dma_start3A_67 = tpu.memref_slice %arg4[%mul3A_40, %dma_start3A_66] : memref<10112x64xf32, #tpu.memory_space<hbm>> -> memref<400x64xf32, #tpu.memory_space<hbm>>
        %dma_start3A_68 = arith.constant 0 : i32
        %dma_start3A_69 = tpu.memref_slice %arg4[%mul3A_40, %dma_start3A_68] : memref<10112x64xf32, #tpu.memory_space<hbm>> -> memref<400x64xf32, #tpu.memory_space<hbm>>
        %dma_start3A_70 = arith.constant 0 : i32
        %dma_start3A_71 = arith.constant 0 : i32
        %dma_start3A_72 = tpu.memref_slice %arg8[%dma_start3A_70, %dma_start3A_71] : memref<400x64xf32, #tpu.memory_space<vmem>> -> memref<400x64xf32, #tpu.memory_space<vmem>>
        tpu.enqueue_dma source(%dma_start3A_72 : memref<400x64xf32, #tpu.memory_space<vmem>>) target(%dma_start3A_69 : memref<400x64xf32, #tpu.memory_space<hbm>>) target_semaphore(%run_scoped3A_62 : memref<!tpu.dma_semaphore, #tpu.memory_space<semaphore_mem>>)
        %dma_wait3A_73 = arith.constant 0 : i32
        %dma_wait3A_74 = arith.constant 0 : i32
        %dma_wait3A_75 = tpu.memref_slice %arg8[%dma_wait3A_73, %dma_wait3A_74] : memref<400x64xf32, #tpu.memory_space<vmem>> -> memref<400x64xf32, #tpu.memory_space<vmem>>
        %dma_wait3A_76 = arith.constant 0 : i32
        %dma_wait3A_77 = tpu.memref_slice %arg4[%mul3A_40, %dma_wait3A_76] : memref<10112x64xf32, #tpu.memory_space<hbm>> -> memref<400x64xf32, #tpu.memory_space<hbm>>
        %dma_wait3A_78 = arith.constant 0 : i32
        %dma_wait3A_79 = tpu.memref_slice %arg4[%mul3A_40, %dma_wait3A_78] : memref<10112x64xf32, #tpu.memory_space<hbm>> -> memref<400x64xf32, #tpu.memory_space<hbm>>
        %dma_wait3A_80 = arith.constant 0 : i32
        %dma_wait3A_81 = arith.constant 0 : i32
        %dma_wait3A_82 = tpu.memref_slice %arg8[%dma_wait3A_80, %dma_wait3A_81] : memref<400x64xf32, #tpu.memory_space<vmem>> -> memref<400x64xf32, #tpu.memory_space<vmem>>
        tpu.wait_dma2 semaphore(%run_scoped3A_62 : memref<!tpu.dma_semaphore, #tpu.memory_space<semaphore_mem>>) src(%dma_wait3A_82 : memref<400x64xf32, #tpu.memory_space<vmem>>) dst(%dma_wait3A_79 : memref<400x64xf32, #tpu.memory_space<hbm>>)
        tpu.yield
      }) : () -> ()
    } else {
    }
    %eq3A_43 = arith.constant 1 : i32
    %eq3A_44 = arith.cmpi eq, %arg0, %eq3A_43 : i32
    %convert_element_type3A_45 = arith.extui %eq3A_44 : i1 to i32
    %cond3A_46 = arith.constant 0 : i32
    %cond3A_47 = arith.cmpi ne, %convert_element_type3A_45, %cond3A_46 : i32
    scf.if %cond3A_47 {
      "tpu.region"() ({
        %run_scoped3A_62 = tpu.sem_alloc : memref<!tpu.dma_semaphore, #tpu.memory_space<semaphore_mem>>
        %dma_start3A_63 = arith.constant 0 : i32
        %dma_start3A_64 = arith.constant 0 : i32
        %dma_start3A_65 = tpu.memref_slice %arg8[%dma_start3A_63, %dma_start3A_64] : memref<400x64xf32, #tpu.memory_space<vmem>> -> memref<400x64xf32, #tpu.memory_space<vmem>>
        %dma_start3A_66 = arith.constant 0 : i32
        %dma_start3A_67 = tpu.memref_slice %arg5[%mul3A_40, %dma_start3A_66] : memref<10112x64xf32, #tpu.memory_space<hbm>> -> memref<400x64xf32, #tpu.memory_space<hbm>>
        %dma_start3A_68 = arith.constant 0 : i32
        %dma_start3A_69 = tpu.memref_slice %arg5[%mul3A_40, %dma_start3A_68] : memref<10112x64xf32, #tpu.memory_space<hbm>> -> memref<400x64xf32, #tpu.memory_space<hbm>>
        %dma_start3A_70 = arith.constant 0 : i32
        %dma_start3A_71 = arith.constant 0 : i32
        %dma_start3A_72 = tpu.memref_slice %arg8[%dma_start3A_70, %dma_start3A_71] : memref<400x64xf32, #tpu.memory_space<vmem>> -> memref<400x64xf32, #tpu.memory_space<vmem>>
        tpu.enqueue_dma source(%dma_start3A_72 : memref<400x64xf32, #tpu.memory_space<vmem>>) target(%dma_start3A_69 : memref<400x64xf32, #tpu.memory_space<hbm>>) target_semaphore(%run_scoped3A_62 : memref<!tpu.dma_semaphore, #tpu.memory_space<semaphore_mem>>)
        %dma_wait3A_73 = arith.constant 0 : i32
        %dma_wait3A_74 = arith.constant 0 : i32
        %dma_wait3A_75 = tpu.memref_slice %arg8[%dma_wait3A_73, %dma_wait3A_74] : memref<400x64xf32, #tpu.memory_space<vmem>> -> memref<400x64xf32, #tpu.memory_space<vmem>>
        %dma_wait3A_76 = arith.constant 0 : i32
        %dma_wait3A_77 = tpu.memref_slice %arg5[%mul3A_40, %dma_wait3A_76] : memref<10112x64xf32, #tpu.memory_space<hbm>> -> memref<400x64xf32, #tpu.memory_space<hbm>>
        %dma_wait3A_78 = arith.constant 0 : i32
        %dma_wait3A_79 = tpu.memref_slice %arg5[%mul3A_40, %dma_wait3A_78] : memref<10112x64xf32, #tpu.memory_space<hbm>> -> memref<400x64xf32, #tpu.memory_space<hbm>>
        %dma_wait3A_80 = arith.constant 0 : i32
        %dma_wait3A_81 = arith.constant 0 : i32
        %dma_wait3A_82 = tpu.memref_slice %arg8[%dma_wait3A_80, %dma_wait3A_81] : memref<400x64xf32, #tpu.memory_space<vmem>> -> memref<400x64xf32, #tpu.memory_space<vmem>>
        tpu.wait_dma2 semaphore(%run_scoped3A_62 : memref<!tpu.dma_semaphore, #tpu.memory_space<semaphore_mem>>) src(%dma_wait3A_82 : memref<400x64xf32, #tpu.memory_space<vmem>>) dst(%dma_wait3A_79 : memref<400x64xf32, #tpu.memory_space<hbm>>)
        tpu.yield
      }) : () -> ()
    } else {
    }
    %add3A_48 = arith.constant 400 : i32
    %add3A_49 = arith.addi %mul3A_40, %add3A_48 : i32
    "tpu.region"() ({
      %run_scoped3A_62 = tpu.sem_alloc : memref<!tpu.dma_semaphore, #tpu.memory_space<semaphore_mem>>
      %dma_start3A_63 = arith.constant 0 : i32
      %dma_start3A_64 = arith.constant 0 : i32
      %dma_start3A_65 = tpu.memref_slice %arg8[%dma_start3A_63, %dma_start3A_64] : memref<400x64xf32, #tpu.memory_space<vmem>> -> memref<232x64xf32, #tpu.memory_space<vmem>>
      %dma_start3A_66 = arith.constant 0 : i32
      %dma_start3A_67 = tpu.memref_slice %arg10[%add3A_49, %dma_start3A_66] : memref<10112x64xf32, #tpu.memory_space<vmem_shared>> -> memref<232x64xf32, #tpu.memory_space<vmem_shared>>
      %dma_start3A_68 = arith.constant 0 : i32
      %dma_start3A_69 = arith.constant 0 : i32
      %dma_start3A_70 = tpu.memref_slice %arg8[%dma_start3A_68, %dma_start3A_69] : memref<400x64xf32, #tpu.memory_space<vmem>> -> memref<232x64xf32, #tpu.memory_space<vmem>>
      %dma_start3A_71 = arith.constant 0 : i32
      %dma_start3A_72 = tpu.memref_slice %arg10[%add3A_49, %dma_start3A_71] : memref<10112x64xf32, #tpu.memory_space<vmem_shared>> -> memref<232x64xf32, #tpu.memory_space<vmem_shared>>
      tpu.enqueue_dma source(%dma_start3A_72 : memref<232x64xf32, #tpu.memory_space<vmem_shared>>) target(%dma_start3A_70 : memref<232x64xf32, #tpu.memory_space<vmem>>) target_semaphore(%run_scoped3A_62 : memref<!tpu.dma_semaphore, #tpu.memory_space<semaphore_mem>>)
      %dma_wait3A_73 = arith.constant 0 : i32
      %dma_wait3A_74 = arith.constant 0 : i32
      %dma_wait3A_75 = tpu.memref_slice %arg8[%dma_wait3A_73, %dma_wait3A_74] : memref<400x64xf32, #tpu.memory_space<vmem>> -> memref<232x64xf32, #tpu.memory_space<vmem>>
      %dma_wait3A_76 = arith.constant 0 : i32
      %dma_wait3A_77 = tpu.memref_slice %arg10[%add3A_49, %dma_wait3A_76] : memref<10112x64xf32, #tpu.memory_space<vmem_shared>> -> memref<232x64xf32, #tpu.memory_space<vmem_shared>>
      %dma_wait3A_78 = arith.constant 0 : i32
      %dma_wait3A_79 = arith.constant 0 : i32
      %dma_wait3A_80 = tpu.memref_slice %arg8[%dma_wait3A_78, %dma_wait3A_79] : memref<400x64xf32, #tpu.memory_space<vmem>> -> memref<232x64xf32, #tpu.memory_space<vmem>>
      %dma_wait3A_81 = arith.constant 0 : i32
      %dma_wait3A_82 = tpu.memref_slice %arg10[%add3A_49, %dma_wait3A_81] : memref<10112x64xf32, #tpu.memory_space<vmem_shared>> -> memref<232x64xf32, #tpu.memory_space<vmem_shared>>
      tpu.wait_dma2 semaphore(%run_scoped3A_62 : memref<!tpu.dma_semaphore, #tpu.memory_space<semaphore_mem>>) src(%dma_wait3A_82 : memref<232x64xf32, #tpu.memory_space<vmem_shared>>) dst(%dma_wait3A_80 : memref<232x64xf32, #tpu.memory_space<vmem>>)
      tpu.yield
    }) : () -> ()
    %eq3A_50 = arith.constant 0 : i32
    %eq3A_51 = arith.cmpi eq, %arg0, %eq3A_50 : i32
    %convert_element_type3A_52 = arith.extui %eq3A_51 : i1 to i32
    %cond3A_53 = arith.constant 0 : i32
    %cond3A_54 = arith.cmpi ne, %convert_element_type3A_52, %cond3A_53 : i32
    scf.if %cond3A_54 {
      "tpu.region"() ({
        %run_scoped3A_62 = tpu.sem_alloc : memref<!tpu.dma_semaphore, #tpu.memory_space<semaphore_mem>>
        %dma_start3A_63 = arith.constant 0 : i32
        %dma_start3A_64 = arith.constant 0 : i32
        %dma_start3A_65 = tpu.memref_slice %arg8[%dma_start3A_63, %dma_start3A_64] : memref<400x64xf32, #tpu.memory_space<vmem>> -> memref<232x64xf32, #tpu.memory_space<vmem>>
        %dma_start3A_66 = arith.constant 0 : i32
        %dma_start3A_67 = tpu.memref_slice %arg4[%add3A_49, %dma_start3A_66] : memref<10112x64xf32, #tpu.memory_space<hbm>> -> memref<232x64xf32, #tpu.memory_space<hbm>>
        %dma_start3A_68 = arith.constant 0 : i32
        %dma_start3A_69 = tpu.memref_slice %arg4[%add3A_49, %dma_start3A_68] : memref<10112x64xf32, #tpu.memory_space<hbm>> -> memref<232x64xf32, #tpu.memory_space<hbm>>
        %dma_start3A_70 = arith.constant 0 : i32
        %dma_start3A_71 = arith.constant 0 : i32
        %dma_start3A_72 = tpu.memref_slice %arg8[%dma_start3A_70, %dma_start3A_71] : memref<400x64xf32, #tpu.memory_space<vmem>> -> memref<232x64xf32, #tpu.memory_space<vmem>>
        tpu.enqueue_dma source(%dma_start3A_72 : memref<232x64xf32, #tpu.memory_space<vmem>>) target(%dma_start3A_69 : memref<232x64xf32, #tpu.memory_space<hbm>>) target_semaphore(%run_scoped3A_62 : memref<!tpu.dma_semaphore, #tpu.memory_space<semaphore_mem>>)
        %dma_wait3A_73 = arith.constant 0 : i32
        %dma_wait3A_74 = arith.constant 0 : i32
        %dma_wait3A_75 = tpu.memref_slice %arg8[%dma_wait3A_73, %dma_wait3A_74] : memref<400x64xf32, #tpu.memory_space<vmem>> -> memref<232x64xf32, #tpu.memory_space<vmem>>
        %dma_wait3A_76 = arith.constant 0 : i32
        %dma_wait3A_77 = tpu.memref_slice %arg4[%add3A_49, %dma_wait3A_76] : memref<10112x64xf32, #tpu.memory_space<hbm>> -> memref<232x64xf32, #tpu.memory_space<hbm>>
        %dma_wait3A_78 = arith.constant 0 : i32
        %dma_wait3A_79 = tpu.memref_slice %arg4[%add3A_49, %dma_wait3A_78] : memref<10112x64xf32, #tpu.memory_space<hbm>> -> memref<232x64xf32, #tpu.memory_space<hbm>>
        %dma_wait3A_80 = arith.constant 0 : i32
        %dma_wait3A_81 = arith.constant 0 : i32
        %dma_wait3A_82 = tpu.memref_slice %arg8[%dma_wait3A_80, %dma_wait3A_81] : memref<400x64xf32, #tpu.memory_space<vmem>> -> memref<232x64xf32, #tpu.memory_space<vmem>>
        tpu.wait_dma2 semaphore(%run_scoped3A_62 : memref<!tpu.dma_semaphore, #tpu.memory_space<semaphore_mem>>) src(%dma_wait3A_82 : memref<232x64xf32, #tpu.memory_space<vmem>>) dst(%dma_wait3A_79 : memref<232x64xf32, #tpu.memory_space<hbm>>)
        tpu.yield
      }) : () -> ()
    } else {
    }
    %eq3A_55 = arith.constant 1 : i32
    %eq3A_56 = arith.cmpi eq, %arg0, %eq3A_55 : i32
    %convert_element_type3A_57 = arith.extui %eq3A_56 : i1 to i32
    %cond3A_58 = arith.constant 0 : i32
    %cond3A_59 = arith.cmpi ne, %convert_element_type3A_57, %cond3A_58 : i32
    scf.if %cond3A_59 {
      "tpu.region"() ({
        %run_scoped3A_62 = tpu.sem_alloc : memref<!tpu.dma_semaphore, #tpu.memory_space<semaphore_mem>>
        %dma_start3A_63 = arith.constant 0 : i32
        %dma_start3A_64 = arith.constant 0 : i32
        %dma_start3A_65 = tpu.memref_slice %arg8[%dma_start3A_63, %dma_start3A_64] : memref<400x64xf32, #tpu.memory_space<vmem>> -> memref<232x64xf32, #tpu.memory_space<vmem>>
        %dma_start3A_66 = arith.constant 0 : i32
        %dma_start3A_67 = tpu.memref_slice %arg5[%add3A_49, %dma_start3A_66] : memref<10112x64xf32, #tpu.memory_space<hbm>> -> memref<232x64xf32, #tpu.memory_space<hbm>>
        %dma_start3A_68 = arith.constant 0 : i32
        %dma_start3A_69 = tpu.memref_slice %arg5[%add3A_49, %dma_start3A_68] : memref<10112x64xf32, #tpu.memory_space<hbm>> -> memref<232x64xf32, #tpu.memory_space<hbm>>
        %dma_start3A_70 = arith.constant 0 : i32
        %dma_start3A_71 = arith.constant 0 : i32
        %dma_start3A_72 = tpu.memref_slice %arg8[%dma_start3A_70, %dma_start3A_71] : memref<400x64xf32, #tpu.memory_space<vmem>> -> memref<232x64xf32, #tpu.memory_space<vmem>>
        tpu.enqueue_dma source(%dma_start3A_72 : memref<232x64xf32, #tpu.memory_space<vmem>>) target(%dma_start3A_69 : memref<232x64xf32, #tpu.memory_space<hbm>>) target_semaphore(%run_scoped3A_62 : memref<!tpu.dma_semaphore, #tpu.memory_space<semaphore_mem>>)
        %dma_wait3A_73 = arith.constant 0 : i32
        %dma_wait3A_74 = arith.constant 0 : i32
        %dma_wait3A_75 = tpu.memref_slice %arg8[%dma_wait3A_73, %dma_wait3A_74] : memref<400x64xf32, #tpu.memory_space<vmem>> -> memref<232x64xf32, #tpu.memory_space<vmem>>
        %dma_wait3A_76 = arith.constant 0 : i32
        %dma_wait3A_77 = tpu.memref_slice %arg5[%add3A_49, %dma_wait3A_76] : memref<10112x64xf32, #tpu.memory_space<hbm>> -> memref<232x64xf32, #tpu.memory_space<hbm>>
        %dma_wait3A_78 = arith.constant 0 : i32
        %dma_wait3A_79 = tpu.memref_slice %arg5[%add3A_49, %dma_wait3A_78] : memref<10112x64xf32, #tpu.memory_space<hbm>> -> memref<232x64xf32, #tpu.memory_space<hbm>>
        %dma_wait3A_80 = arith.constant 0 : i32
        %dma_wait3A_81 = arith.constant 0 : i32
        %dma_wait3A_82 = tpu.memref_slice %arg8[%dma_wait3A_80, %dma_wait3A_81] : memref<400x64xf32, #tpu.memory_space<vmem>> -> memref<232x64xf32, #tpu.memory_space<vmem>>
        tpu.wait_dma2 semaphore(%run_scoped3A_62 : memref<!tpu.dma_semaphore, #tpu.memory_space<semaphore_mem>>) src(%dma_wait3A_82 : memref<232x64xf32, #tpu.memory_space<vmem>>) dst(%dma_wait3A_79 : memref<232x64xf32, #tpu.memory_space<hbm>>)
        tpu.yield
      }) : () -> ()
    } else {
    }
    %add3A_60 = arith.constant 232 : i32
    %add3A_61 = arith.addi %add3A_49, %add3A_60 : i32
    return
  }
}

#map = affine_map<(d0, d1) -> (0, 0, 0)>
#map1 = affine_map<(d0, d1) -> (0, 0)>
module attributes {stable_mosaic.version = 14 : i64} {
  func.func @degk(%arg0: i32, %arg1: i32, %arg2: memref<2x800x400xi32, #tpu.memory_space<hbm>>, %arg3: memref<2x10112xf32, #tpu.memory_space<hbm>>, %arg4: memref<25x400xi32, #tpu.memory_space<vmem>>, %arg5: memref<400xf32, #tpu.memory_space<vmem>>, %arg6: memref<640xf32, #tpu.memory_space<vmem>>, %arg7: memref<10112xf32, #tpu.memory_space<vmem_shared>>) attributes {dimension_semantics = [#tpu.dimension_semantics<core_parallel>, #tpu.dimension_semantics<subcore_parallel>], iteration_bounds = array<i64: 2, 16>, scalar_prefetch = 0 : i64, scratch_operands = 4 : i64, tpu.core_type = #tpu.core_type<sc_vector_subcore>, window_params = [{transform_indices = #map}, {transform_indices = #map1}]} {
    %mul3A = arith.constant 2 : i32
    %mul3A_0 = arith.muli %arg1, %mul3A : i32
    %add3A = arith.addi %mul3A_0, %arg0 : i32
    %mul3A_1 = arith.constant 25 : i32
    %mul3A_2 = arith.muli %add3A, %mul3A_1 : i32
    %run_scoped3A = arith.constant 1 : i32
    "tpu.region"() ({
      %run_scoped3A_30 = tpu.sem_alloc : memref<!tpu.dma_semaphore, #tpu.memory_space<semaphore_mem>>
      %dma_start3A = arith.constant 0 : i32
      %dma_start3A_31 = tpu.memref_slice %arg2[%run_scoped3A, %mul3A_2, %dma_start3A] : memref<2x800x400xi32, #tpu.memory_space<hbm>> -> memref<1x25x400xi32, #tpu.memory_space<hbm>>
      %dma_start3A_32 = tpu.memref_squeeze %dma_start3A_31 : memref<1x25x400xi32, #tpu.memory_space<hbm>> -> memref<25x400xi32, #tpu.memory_space<hbm>>
      %dma_start3A_33 = arith.constant 0 : i32
      %dma_start3A_34 = tpu.memref_slice %arg2[%run_scoped3A, %mul3A_2, %dma_start3A_33] : memref<2x800x400xi32, #tpu.memory_space<hbm>> -> memref<1x25x400xi32, #tpu.memory_space<hbm>>
      %dma_start3A_35 = tpu.memref_squeeze %dma_start3A_34 : memref<1x25x400xi32, #tpu.memory_space<hbm>> -> memref<25x400xi32, #tpu.memory_space<hbm>>
      tpu.enqueue_dma source(%dma_start3A_35 : memref<25x400xi32, #tpu.memory_space<hbm>>) target(%arg4 : memref<25x400xi32, #tpu.memory_space<vmem>>) target_semaphore(%run_scoped3A_30 : memref<!tpu.dma_semaphore, #tpu.memory_space<semaphore_mem>>)
      %dma_wait3A = arith.constant 0 : i32
      %dma_wait3A_36 = tpu.memref_slice %arg2[%run_scoped3A, %mul3A_2, %dma_wait3A] : memref<2x800x400xi32, #tpu.memory_space<hbm>> -> memref<1x25x400xi32, #tpu.memory_space<hbm>>
      %dma_wait3A_37 = tpu.memref_squeeze %dma_wait3A_36 : memref<1x25x400xi32, #tpu.memory_space<hbm>> -> memref<25x400xi32, #tpu.memory_space<hbm>>
      %dma_wait3A_38 = arith.constant 0 : i32
      %dma_wait3A_39 = tpu.memref_slice %arg2[%run_scoped3A, %mul3A_2, %dma_wait3A_38] : memref<2x800x400xi32, #tpu.memory_space<hbm>> -> memref<1x25x400xi32, #tpu.memory_space<hbm>>
      %dma_wait3A_40 = tpu.memref_squeeze %dma_wait3A_39 : memref<1x25x400xi32, #tpu.memory_space<hbm>> -> memref<25x400xi32, #tpu.memory_space<hbm>>
      tpu.wait_dma2 semaphore(%run_scoped3A_30 : memref<!tpu.dma_semaphore, #tpu.memory_space<semaphore_mem>>) src(%dma_wait3A_40 : memref<25x400xi32, #tpu.memory_space<hbm>>) dst(%arg4 : memref<25x400xi32, #tpu.memory_space<vmem>>)
      tpu.yield
    }) : () -> ()
    %scan3A = arith.constant 0 : i32
    %scan3A_3 = arith.constant 0 : i32
    %scan3A_4 = arith.constant 25 : i32
    %scan3A_5 = arith.addi %scan3A_3, %scan3A_4 : i32
    %scan3A_6 = arith.constant 1 : i32
    %scan3A_7 = scf.for %scan3A_30 = %scan3A_3 to %scan3A_5 step %scan3A_6 iter_args(%scan3A_31 = %scan3A) -> (i32)  : i32 {
      %broadcast_in_dim3A = arith.constant 1.000000e+00 : f32
      %broadcast_in_dim3A_32 = vector.broadcast %broadcast_in_dim3A : f32 to vector<16xf32>
      %mul3A_33 = arith.constant 16 : i32
      %mul3A_34 = arith.muli %scan3A_30, %mul3A_33 : i32
      %swap3A = arith.index_cast %mul3A_34 : i32 to index
      %swap3A_35 = tpu.vector_load %arg5[%swap3A] {strides = array<i32>} : memref<400xf32, #tpu.memory_space<vmem>>, vector<16xf32>,
      %swap3A_36 = vector.shape_cast %swap3A_35 : vector<16xf32> to vector<16xf32>
      %swap3A_37 = vector.shape_cast %broadcast_in_dim3A_32 : vector<16xf32> to vector<16xf32>
      tpu.vector_store %arg5[%swap3A], %swap3A_37 {strides = array<i32>} : memref<400xf32, #tpu.memory_space<vmem>>, vector<16xf32>,
      %scan3A_38 = arith.constant 0 : i32
      scf.yield %scan3A_38 : i32
    }
    %scan3A_8 = arith.constant 25 : i32
    %scan3A_9 = arith.constant 0 : i32
    %scan3A_10 = arith.constant 0 : i32
    %scan3A_11 = arith.constant 40 : i32
    %scan3A_12 = arith.addi %scan3A_10, %scan3A_11 : i32
    %scan3A_13 = arith.constant 1 : i32
    %scan3A_14 = scf.for %scan3A_30 = %scan3A_10 to %scan3A_12 step %scan3A_13 iter_args(%scan3A_31 = %scan3A_9) -> (i32)  : i32 {
      %broadcast_in_dim3A = arith.constant 0.000000e+00 : f32
      %broadcast_in_dim3A_32 = vector.broadcast %broadcast_in_dim3A : f32 to vector<16xf32>
      %mul3A_33 = arith.constant 16 : i32
      %mul3A_34 = arith.muli %scan3A_30, %mul3A_33 : i32
      %swap3A = arith.index_cast %mul3A_34 : i32 to index
      %swap3A_35 = tpu.vector_load %arg6[%swap3A] {strides = array<i32>} : memref<640xf32, #tpu.memory_space<vmem>>, vector<16xf32>,
      %swap3A_36 = vector.shape_cast %swap3A_35 : vector<16xf32> to vector<16xf32>
      %swap3A_37 = vector.shape_cast %broadcast_in_dim3A_32 : vector<16xf32> to vector<16xf32>
      tpu.vector_store %arg6[%swap3A], %swap3A_37 {strides = array<i32>} : memref<640xf32, #tpu.memory_space<vmem>>, vector<16xf32>,
      %scan3A_38 = arith.constant 0 : i32
      scf.yield %scan3A_38 : i32
    }
    %scan3A_15 = arith.constant 40 : i32
    %mul3A_16 = arith.constant 632 : i32
    %mul3A_17 = arith.muli %arg1, %mul3A_16 : i32
    "tpu.region"() ({
      %run_scoped3A_30 = tpu.sem_alloc : memref<!tpu.dma_semaphore, #tpu.memory_space<semaphore_mem>>
      %dma_start3A = arith.constant 0 : i32
      %dma_start3A_31 = tpu.memref_slice %arg6[%dma_start3A] : memref<640xf32, #tpu.memory_space<vmem>> -> memref<632xf32, #tpu.memory_space<vmem>>
      %dma_start3A_32 = tpu.memref_slice %arg7[%mul3A_17] : memref<10112xf32, #tpu.memory_space<vmem_shared>> -> memref<632xf32, #tpu.memory_space<vmem_shared>>
      %dma_start3A_33 = tpu.memref_slice %arg7[%mul3A_17] : memref<10112xf32, #tpu.memory_space<vmem_shared>> -> memref<632xf32, #tpu.memory_space<vmem_shared>>
      %dma_start3A_34 = arith.constant 0 : i32
      %dma_start3A_35 = tpu.memref_slice %arg6[%dma_start3A_34] : memref<640xf32, #tpu.memory_space<vmem>> -> memref<632xf32, #tpu.memory_space<vmem>>
      tpu.enqueue_dma source(%dma_start3A_35 : memref<632xf32, #tpu.memory_space<vmem>>) target(%dma_start3A_33 : memref<632xf32, #tpu.memory_space<vmem_shared>>) target_semaphore(%run_scoped3A_30 : memref<!tpu.dma_semaphore, #tpu.memory_space<semaphore_mem>>)
      %dma_wait3A = arith.constant 0 : i32
      %dma_wait3A_36 = tpu.memref_slice %arg6[%dma_wait3A] : memref<640xf32, #tpu.memory_space<vmem>> -> memref<632xf32, #tpu.memory_space<vmem>>
      %dma_wait3A_37 = tpu.memref_slice %arg7[%mul3A_17] : memref<10112xf32, #tpu.memory_space<vmem_shared>> -> memref<632xf32, #tpu.memory_space<vmem_shared>>
      %dma_wait3A_38 = tpu.memref_slice %arg7[%mul3A_17] : memref<10112xf32, #tpu.memory_space<vmem_shared>> -> memref<632xf32, #tpu.memory_space<vmem_shared>>
      %dma_wait3A_39 = arith.constant 0 : i32
      %dma_wait3A_40 = tpu.memref_slice %arg6[%dma_wait3A_39] : memref<640xf32, #tpu.memory_space<vmem>> -> memref<632xf32, #tpu.memory_space<vmem>>
      tpu.wait_dma2 semaphore(%run_scoped3A_30 : memref<!tpu.dma_semaphore, #tpu.memory_space<semaphore_mem>>) src(%dma_wait3A_40 : memref<632xf32, #tpu.memory_space<vmem>>) dst(%dma_wait3A_38 : memref<632xf32, #tpu.memory_space<vmem_shared>>)
      tpu.yield
    }) : () -> ()
    %barrier3A = arith.constant 0 : index
    tpu.barrier barrier_id(%barrier3A)
    %scan3A_18 = arith.constant 0 : i32
    %scan3A_19 = arith.constant 0 : i32
    %scan3A_20 = arith.constant 25 : i32
    %scan3A_21 = arith.addi %scan3A_19, %scan3A_20 : i32
    %scan3A_22 = arith.constant 1 : i32
    %scan3A_23 = scf.for %scan3A_30 = %scan3A_19 to %scan3A_21 step %scan3A_22 iter_args(%scan3A_31 = %scan3A_18) -> (i32)  : i32 {
      "tpu.region"() ({
        %run_scoped3A_33 = tpu.sem_alloc : memref<!tpu.dma_semaphore, #tpu.memory_space<semaphore_mem>>
        %dma_start3A = arith.constant 0 : i32
        %dma_start3A_34 = tpu.memref_slice %arg4[%scan3A_30, %dma_start3A] : memref<25x400xi32, #tpu.memory_space<vmem>> -> memref<1x400xi32, #tpu.memory_space<vmem>>
        %dma_start3A_35 = tpu.memref_squeeze %dma_start3A_34 : memref<1x400xi32, #tpu.memory_space<vmem>> -> memref<400xi32, #tpu.memory_space<vmem>>
        %dma_start3A_36 = arith.constant 0 : i32
        %dma_start3A_37 = tpu.memref_slice %arg7[%dma_start3A_36] : memref<10112xf32, #tpu.memory_space<vmem_shared>> -> memref<10112xf32, #tpu.memory_space<vmem_shared>>
        tpu.enqueue_indirect_dma source(%arg5 : memref<400xf32, #tpu.memory_space<vmem>>) target(%dma_start3A_37 : memref<10112xf32, #tpu.memory_space<vmem_shared>>) offsets(%dma_start3A_35 : memref<400xi32, #tpu.memory_space<vmem>>) semaphore(%run_scoped3A_33 : memref<!tpu.dma_semaphore, #tpu.memory_space<semaphore_mem>>) {add = true}
        %dma_wait3A = arith.constant 0 : i32
        %dma_wait3A_38 = tpu.memref_slice %arg4[%scan3A_30, %dma_wait3A] : memref<25x400xi32, #tpu.memory_space<vmem>> -> memref<1x400xi32, #tpu.memory_space<vmem>>
        %dma_wait3A_39 = tpu.memref_squeeze %dma_wait3A_38 : memref<1x400xi32, #tpu.memory_space<vmem>> -> memref<400xi32, #tpu.memory_space<vmem>>
        %dma_wait3A_40 = arith.constant 0 : i32
        %dma_wait3A_41 = tpu.memref_slice %arg7[%dma_wait3A_40] : memref<10112xf32, #tpu.memory_space<vmem_shared>> -> memref<10112xf32, #tpu.memory_space<vmem_shared>>
        tpu.wait_indirect_dma semaphore(%run_scoped3A_33 : memref<!tpu.dma_semaphore, #tpu.memory_space<semaphore_mem>>) src(%arg5 : memref<400xf32, #tpu.memory_space<vmem>>) dst(%dma_wait3A_41 : memref<10112xf32, #tpu.memory_space<vmem_shared>>)
        tpu.yield
      }) : () -> ()
      %scan3A_32 = arith.constant 0 : i32
      scf.yield %scan3A_32 : i32
    }
    %scan3A_24 = arith.constant 25 : i32
    %barrier3A_25 = arith.constant 0 : index
    tpu.barrier barrier_id(%barrier3A_25)
    %mul3A_26 = arith.constant 632 : i32
    %mul3A_27 = arith.muli %arg1, %mul3A_26 : i32
    "tpu.region"() ({
      %run_scoped3A_30 = tpu.sem_alloc : memref<!tpu.dma_semaphore, #tpu.memory_space<semaphore_mem>>
      %dma_start3A = arith.constant 0 : i32
      %dma_start3A_31 = tpu.memref_slice %arg6[%dma_start3A] : memref<640xf32, #tpu.memory_space<vmem>> -> memref<632xf32, #tpu.memory_space<vmem>>
      %dma_start3A_32 = tpu.memref_slice %arg7[%mul3A_27] : memref<10112xf32, #tpu.memory_space<vmem_shared>> -> memref<632xf32, #tpu.memory_space<vmem_shared>>
      %dma_start3A_33 = arith.constant 0 : i32
      %dma_start3A_34 = tpu.memref_slice %arg6[%dma_start3A_33] : memref<640xf32, #tpu.memory_space<vmem>> -> memref<632xf32, #tpu.memory_space<vmem>>
      %dma_start3A_35 = tpu.memref_slice %arg7[%mul3A_27] : memref<10112xf32, #tpu.memory_space<vmem_shared>> -> memref<632xf32, #tpu.memory_space<vmem_shared>>
      tpu.enqueue_dma source(%dma_start3A_35 : memref<632xf32, #tpu.memory_space<vmem_shared>>) target(%dma_start3A_34 : memref<632xf32, #tpu.memory_space<vmem>>) target_semaphore(%run_scoped3A_30 : memref<!tpu.dma_semaphore, #tpu.memory_space<semaphore_mem>>)
      %dma_wait3A = arith.constant 0 : i32
      %dma_wait3A_36 = tpu.memref_slice %arg6[%dma_wait3A] : memref<640xf32, #tpu.memory_space<vmem>> -> memref<632xf32, #tpu.memory_space<vmem>>
      %dma_wait3A_37 = tpu.memref_slice %arg7[%mul3A_27] : memref<10112xf32, #tpu.memory_space<vmem_shared>> -> memref<632xf32, #tpu.memory_space<vmem_shared>>
      %dma_wait3A_38 = arith.constant 0 : i32
      %dma_wait3A_39 = tpu.memref_slice %arg6[%dma_wait3A_38] : memref<640xf32, #tpu.memory_space<vmem>> -> memref<632xf32, #tpu.memory_space<vmem>>
      %dma_wait3A_40 = tpu.memref_slice %arg7[%mul3A_27] : memref<10112xf32, #tpu.memory_space<vmem_shared>> -> memref<632xf32, #tpu.memory_space<vmem_shared>>
      tpu.wait_dma2 semaphore(%run_scoped3A_30 : memref<!tpu.dma_semaphore, #tpu.memory_space<semaphore_mem>>) src(%dma_wait3A_40 : memref<632xf32, #tpu.memory_space<vmem_shared>>) dst(%dma_wait3A_39 : memref<632xf32, #tpu.memory_space<vmem>>)
      tpu.yield
    }) : () -> ()
    %mul3A_28 = arith.constant 632 : i32
    %mul3A_29 = arith.muli %arg1, %mul3A_28 : i32
    "tpu.region"() ({
      %run_scoped3A_30 = tpu.sem_alloc : memref<!tpu.dma_semaphore, #tpu.memory_space<semaphore_mem>>
      %dma_start3A = arith.constant 0 : i32
      %dma_start3A_31 = tpu.memref_slice %arg6[%dma_start3A] : memref<640xf32, #tpu.memory_space<vmem>> -> memref<632xf32, #tpu.memory_space<vmem>>
      %dma_start3A_32 = tpu.memref_slice %arg3[%arg0, %mul3A_29] : memref<2x10112xf32, #tpu.memory_space<hbm>> -> memref<1x632xf32, #tpu.memory_space<hbm>>
      %dma_start3A_33 = tpu.memref_squeeze %dma_start3A_32 : memref<1x632xf32, #tpu.memory_space<hbm>> -> memref<632xf32, #tpu.memory_space<hbm>>
      %dma_start3A_34 = tpu.memref_slice %arg3[%arg0, %mul3A_29] : memref<2x10112xf32, #tpu.memory_space<hbm>> -> memref<1x632xf32, #tpu.memory_space<hbm>>
      %dma_start3A_35 = tpu.memref_squeeze %dma_start3A_34 : memref<1x632xf32, #tpu.memory_space<hbm>> -> memref<632xf32, #tpu.memory_space<hbm>>
      %dma_start3A_36 = arith.constant 0 : i32
      %dma_start3A_37 = tpu.memref_slice %arg6[%dma_start3A_36] : memref<640xf32, #tpu.memory_space<vmem>> -> memref<632xf32, #tpu.memory_space<vmem>>
      tpu.enqueue_dma source(%dma_start3A_37 : memref<632xf32, #tpu.memory_space<vmem>>) target(%dma_start3A_35 : memref<632xf32, #tpu.memory_space<hbm>>) target_semaphore(%run_scoped3A_30 : memref<!tpu.dma_semaphore, #tpu.memory_space<semaphore_mem>>)
      %dma_wait3A = arith.constant 0 : i32
      %dma_wait3A_38 = tpu.memref_slice %arg6[%dma_wait3A] : memref<640xf32, #tpu.memory_space<vmem>> -> memref<632xf32, #tpu.memory_space<vmem>>
      %dma_wait3A_39 = tpu.memref_slice %arg3[%arg0, %mul3A_29] : memref<2x10112xf32, #tpu.memory_space<hbm>> -> memref<1x632xf32, #tpu.memory_space<hbm>>
      %dma_wait3A_40 = tpu.memref_squeeze %dma_wait3A_39 : memref<1x632xf32, #tpu.memory_space<hbm>> -> memref<632xf32, #tpu.memory_space<hbm>>
      %dma_wait3A_41 = tpu.memref_slice %arg3[%arg0, %mul3A_29] : memref<2x10112xf32, #tpu.memory_space<hbm>> -> memref<1x632xf32, #tpu.memory_space<hbm>>
      %dma_wait3A_42 = tpu.memref_squeeze %dma_wait3A_41 : memref<1x632xf32, #tpu.memory_space<hbm>> -> memref<632xf32, #tpu.memory_space<hbm>>
      %dma_wait3A_43 = arith.constant 0 : i32
      %dma_wait3A_44 = tpu.memref_slice %arg6[%dma_wait3A_43] : memref<640xf32, #tpu.memory_space<vmem>> -> memref<632xf32, #tpu.memory_space<vmem>>
      tpu.wait_dma2 semaphore(%run_scoped3A_30 : memref<!tpu.dma_semaphore, #tpu.memory_space<semaphore_mem>>) src(%dma_wait3A_44 : memref<632xf32, #tpu.memory_space<vmem>>) dst(%dma_wait3A_42 : memref<632xf32, #tpu.memory_space<hbm>>)
      tpu.yield
    }) : () -> ()
    return
  }
}

#map = affine_map<(d0, d1) -> (0, 0)>
#map1 = affine_map<(d0, d1) -> (0, 0, 0)>
module attributes {stable_mosaic.version = 14 : i64} {
  func.func @msgk(%arg0: i32, %arg1: i32, %arg2: memref<10000x64xf32, #tpu.memory_space<hbm>>, %arg3: memref<2x800x400xi32, #tpu.memory_space<hbm>>, %arg4: memref<10112x64xf32, #tpu.memory_space<hbm>>, %arg5: memref<10112x64xf32, #tpu.memory_space<hbm>>, %arg6: memref<25x400xi32, #tpu.memory_space<vmem>>, %arg7: memref<25x400xi32, #tpu.memory_space<vmem>>, %arg8: memref<400x64xf32, #tpu.memory_space<vmem>>, %arg9: memref<400x64xf32, #tpu.memory_space<vmem>>, %arg10: memref<10112x64xf32, #tpu.memory_space<vmem_shared>>, %arg11: memref<!tpu.dma_semaphore, #tpu.memory_space<semaphore_mem>>, %arg12: memref<!tpu.dma_semaphore, #tpu.memory_space<semaphore_mem>>) attributes {dimension_semantics = [#tpu.dimension_semantics<core_parallel>, #tpu.dimension_semantics<subcore_parallel>], iteration_bounds = array<i64: 2, 16>, scalar_prefetch = 0 : i64, scratch_operands = 7 : i64, tpu.core_type = #tpu.core_type<sc_vector_subcore>, window_params = [{transform_indices = #map}, {transform_indices = #map1}, {transform_indices = #map}, {transform_indices = #map}]} {
    %mul3A = arith.constant 2 : i32
    %mul3A_0 = arith.muli %arg1, %mul3A : i32
    %add3A = arith.addi %mul3A_0, %arg0 : i32
    %mul3A_1 = arith.constant 25 : i32
    %mul3A_2 = arith.muli %add3A, %mul3A_1 : i32
    %run_scoped3A = arith.constant 0 : i32
    "tpu.region"() ({
      %run_scoped3A_62 = tpu.sem_alloc : memref<!tpu.dma_semaphore, #tpu.memory_space<semaphore_mem>>
      %dma_start3A_63 = arith.constant 0 : i32
      %dma_start3A_64 = tpu.memref_slice %arg3[%run_scoped3A, %mul3A_2, %dma_start3A_63] : memref<2x800x400xi32, #tpu.memory_space<hbm>> -> memref<1x25x400xi32, #tpu.memory_space<hbm>>
      %dma_start3A_65 = tpu.memref_squeeze %dma_start3A_64 : memref<1x25x400xi32, #tpu.memory_space<hbm>> -> memref<25x400xi32, #tpu.memory_space<hbm>>
      %dma_start3A_66 = arith.constant 0 : i32
      %dma_start3A_67 = tpu.memref_slice %arg3[%run_scoped3A, %mul3A_2, %dma_start3A_66] : memref<2x800x400xi32, #tpu.memory_space<hbm>> -> memref<1x25x400xi32, #tpu.memory_space<hbm>>
      %dma_start3A_68 = tpu.memref_squeeze %dma_start3A_67 : memref<1x25x400xi32, #tpu.memory_space<hbm>> -> memref<25x400xi32, #tpu.memory_space<hbm>>
      tpu.enqueue_dma source(%dma_start3A_68 : memref<25x400xi32, #tpu.memory_space<hbm>>) target(%arg6 : memref<25x400xi32, #tpu.memory_space<vmem>>) target_semaphore(%run_scoped3A_62 : memref<!tpu.dma_semaphore, #tpu.memory_space<semaphore_mem>>)
      %dma_wait3A_69 = arith.constant 0 : i32
      %dma_wait3A_70 = tpu.memref_slice %arg3[%run_scoped3A, %mul3A_2, %dma_wait3A_69] : memref<2x800x400xi32, #tpu.memory_space<hbm>> -> memref<1x25x400xi32, #tpu.memory_space<hbm>>
      %dma_wait3A_71 = tpu.memref_squeeze %dma_wait3A_70 : memref<1x25x400xi32, #tpu.memory_space<hbm>> -> memref<25x400xi32, #tpu.memory_space<hbm>>
      %dma_wait3A_72 = arith.constant 0 : i32
      %dma_wait3A_73 = tpu.memref_slice %arg3[%run_scoped3A, %mul3A_2, %dma_wait3A_72] : memref<2x800x400xi32, #tpu.memory_space<hbm>> -> memref<1x25x400xi32, #tpu.memory_space<hbm>>
      %dma_wait3A_74 = tpu.memref_squeeze %dma_wait3A_73 : memref<1x25x400xi32, #tpu.memory_space<hbm>> -> memref<25x400xi32, #tpu.memory_space<hbm>>
      tpu.wait_dma2 semaphore(%run_scoped3A_62 : memref<!tpu.dma_semaphore, #tpu.memory_space<semaphore_mem>>) src(%dma_wait3A_74 : memref<25x400xi32, #tpu.memory_space<hbm>>) dst(%arg6 : memref<25x400xi32, #tpu.memory_space<vmem>>)
      tpu.yield
    }) : () -> ()
    %mul3A_3 = arith.constant 25 : i32
    %mul3A_4 = arith.muli %add3A, %mul3A_3 : i32
    %run_scoped3A_5 = arith.constant 1 : i32
    "tpu.region"() ({
      %run_scoped3A_62 = tpu.sem_alloc : memref<!tpu.dma_semaphore, #tpu.memory_space<semaphore_mem>>
      %dma_start3A_63 = arith.constant 0 : i32
      %dma_start3A_64 = tpu.memref_slice %arg3[%run_scoped3A_5, %mul3A_4, %dma_start3A_63] : memref<2x800x400xi32, #tpu.memory_space<hbm>> -> memref<1x25x400xi32, #tpu.memory_space<hbm>>
      %dma_start3A_65 = tpu.memref_squeeze %dma_start3A_64 : memref<1x25x400xi32, #tpu.memory_space<hbm>> -> memref<25x400xi32, #tpu.memory_space<hbm>>
      %dma_start3A_66 = arith.constant 0 : i32
      %dma_start3A_67 = tpu.memref_slice %arg3[%run_scoped3A_5, %mul3A_4, %dma_start3A_66] : memref<2x800x400xi32, #tpu.memory_space<hbm>> -> memref<1x25x400xi32, #tpu.memory_space<hbm>>
      %dma_start3A_68 = tpu.memref_squeeze %dma_start3A_67 : memref<1x25x400xi32, #tpu.memory_space<hbm>> -> memref<25x400xi32, #tpu.memory_space<hbm>>
      tpu.enqueue_dma source(%dma_start3A_68 : memref<25x400xi32, #tpu.memory_space<hbm>>) target(%arg7 : memref<25x400xi32, #tpu.memory_space<vmem>>) target_semaphore(%run_scoped3A_62 : memref<!tpu.dma_semaphore, #tpu.memory_space<semaphore_mem>>)
      %dma_wait3A_69 = arith.constant 0 : i32
      %dma_wait3A_70 = tpu.memref_slice %arg3[%run_scoped3A_5, %mul3A_4, %dma_wait3A_69] : memref<2x800x400xi32, #tpu.memory_space<hbm>> -> memref<1x25x400xi32, #tpu.memory_space<hbm>>
      %dma_wait3A_71 = tpu.memref_squeeze %dma_wait3A_70 : memref<1x25x400xi32, #tpu.memory_space<hbm>> -> memref<25x400xi32, #tpu.memory_space<hbm>>
      %dma_wait3A_72 = arith.constant 0 : i32
      %dma_wait3A_73 = tpu.memref_slice %arg3[%run_scoped3A_5, %mul3A_4, %dma_wait3A_72] : memref<2x800x400xi32, #tpu.memory_space<hbm>> -> memref<1x25x400xi32, #tpu.memory_space<hbm>>
      %dma_wait3A_74 = tpu.memref_squeeze %dma_wait3A_73 : memref<1x25x400xi32, #tpu.memory_space<hbm>> -> memref<25x400xi32, #tpu.memory_space<hbm>>
      tpu.wait_dma2 semaphore(%run_scoped3A_62 : memref<!tpu.dma_semaphore, #tpu.memory_space<semaphore_mem>>) src(%dma_wait3A_74 : memref<25x400xi32, #tpu.memory_space<hbm>>) dst(%arg7 : memref<25x400xi32, #tpu.memory_space<vmem>>)
      tpu.yield
    }) : () -> ()
    %scan3A = arith.constant 0 : i32
    %scan3A_6 = arith.constant 0 : i32
    %scan3A_7 = arith.constant 400 : i32
    %scan3A_8 = arith.addi %scan3A_6, %scan3A_7 : i32
    %scan3A_9 = arith.constant 1 : i32
    %scan3A_10 = scf.for %scan3A_62 = %scan3A_6 to %scan3A_8 step %scan3A_9 iter_args(%scan3A_63 = %scan3A) -> (i32)  : i32 {
      %broadcast_in_dim3A = arith.constant 0.000000e+00 : f32
      %broadcast_in_dim3A_64 = vector.broadcast %broadcast_in_dim3A : f32 to vector<16xf32>
      %swap3A = arith.index_cast %scan3A_62 : i32 to index
      %swap3A_65 = arith.constant 0 : index
      %swap3A_66 = tpu.vector_load %arg8[%swap3A, %swap3A_65] {strides = array<i32>} : memref<400x64xf32, #tpu.memory_space<vmem>>, vector<1x16xf32>,
      %swap3A_67 = vector.shape_cast %swap3A_66 : vector<1x16xf32> to vector<16xf32>
      %swap3A_68 = vector.shape_cast %broadcast_in_dim3A_64 : vector<16xf32> to vector<1x16xf32>
      tpu.vector_store %arg8[%swap3A, %swap3A_65], %swap3A_68 {strides = array<i32>} : memref<400x64xf32, #tpu.memory_space<vmem>>, vector<1x16xf32>,
      %broadcast_in_dim3A_69 = arith.constant 0.000000e+00 : f32
      %broadcast_in_dim3A_70 = vector.broadcast %broadcast_in_dim3A_69 : f32 to vector<16xf32>
      %swap3A_71 = arith.index_cast %scan3A_62 : i32 to index
      %swap3A_72 = arith.constant 16 : index
      %swap3A_73 = tpu.vector_load %arg8[%swap3A_71, %swap3A_72] {strides = array<i32>} : memref<400x64xf32, #tpu.memory_space<vmem>>, vector<1x16xf32>,
      %swap3A_74 = vector.shape_cast %swap3A_73 : vector<1x16xf32> to vector<16xf32>
      %swap3A_75 = vector.shape_cast %broadcast_in_dim3A_70 : vector<16xf32> to vector<1x16xf32>
      tpu.vector_store %arg8[%swap3A_71, %swap3A_72], %swap3A_75 {strides = array<i32>} : memref<400x64xf32, #tpu.memory_space<vmem>>, vector<1x16xf32>,
      %broadcast_in_dim3A_76 = arith.constant 0.000000e+00 : f32
      %broadcast_in_dim3A_77 = vector.broadcast %broadcast_in_dim3A_76 : f32 to vector<16xf32>
      %swap3A_78 = arith.index_cast %scan3A_62 : i32 to index
      %swap3A_79 = arith.constant 32 : index
      %swap3A_80 = tpu.vector_load %arg8[%swap3A_78, %swap3A_79] {strides = array<i32>} : memref<400x64xf32, #tpu.memory_space<vmem>>, vector<1x16xf32>,
      %swap3A_81 = vector.shape_cast %swap3A_80 : vector<1x16xf32> to vector<16xf32>
      %swap3A_82 = vector.shape_cast %broadcast_in_dim3A_77 : vector<16xf32> to vector<1x16xf32>
      tpu.vector_store %arg8[%swap3A_78, %swap3A_79], %swap3A_82 {strides = array<i32>} : memref<400x64xf32, #tpu.memory_space<vmem>>, vector<1x16xf32>,
      %broadcast_in_dim3A_83 = arith.constant 0.000000e+00 : f32
      %broadcast_in_dim3A_84 = vector.broadcast %broadcast_in_dim3A_83 : f32 to vector<16xf32>
      %swap3A_85 = arith.index_cast %scan3A_62 : i32 to index
      %swap3A_86 = arith.constant 48 : index
      %swap3A_87 = tpu.vector_load %arg8[%swap3A_85, %swap3A_86] {strides = array<i32>} : memref<400x64xf32, #tpu.memory_space<vmem>>, vector<1x16xf32>,
      %swap3A_88 = vector.shape_cast %swap3A_87 : vector<1x16xf32> to vector<16xf32>
      %swap3A_89 = vector.shape_cast %broadcast_in_dim3A_84 : vector<16xf32> to vector<1x16xf32>
      tpu.vector_store %arg8[%swap3A_85, %swap3A_86], %swap3A_89 {strides = array<i32>} : memref<400x64xf32, #tpu.memory_space<vmem>>, vector<1x16xf32>,
      %scan3A_90 = arith.constant 0 : i32
      scf.yield %scan3A_90 : i32
    }
    %scan3A_11 = arith.constant 400 : i32
    %mul3A_12 = arith.constant 632 : i32
    %mul3A_13 = arith.muli %arg1, %mul3A_12 : i32
    "tpu.region"() ({
      %run_scoped3A_62 = tpu.sem_alloc : memref<!tpu.dma_semaphore, #tpu.memory_space<semaphore_mem>>
      %dma_start3A_63 = arith.constant 0 : i32
      %dma_start3A_64 = arith.constant 0 : i32
      %dma_start3A_65 = tpu.memref_slice %arg8[%dma_start3A_63, %dma_start3A_64] : memref<400x64xf32, #tpu.memory_space<vmem>> -> memref<400x64xf32, #tpu.memory_space<vmem>>
      %dma_start3A_66 = arith.constant 0 : i32
      %dma_start3A_67 = tpu.memref_slice %arg10[%mul3A_13, %dma_start3A_66] : memref<10112x64xf32, #tpu.memory_space<vmem_shared>> -> memref<400x64xf32, #tpu.memory_space<vmem_shared>>
      %dma_start3A_68 = arith.constant 0 : i32
      %dma_start3A_69 = tpu.memref_slice %arg10[%mul3A_13, %dma_start3A_68] : memref<10112x64xf32, #tpu.memory_space<vmem_shared>> -> memref<400x64xf32, #tpu.memory_space<vmem_shared>>
      %dma_start3A_70 = arith.constant 0 : i32
      %dma_start3A_71 = arith.constant 0 : i32
      %dma_start3A_72 = tpu.memref_slice %arg8[%dma_start3A_70, %dma_start3A_71] : memref<400x64xf32, #tpu.memory_space<vmem>> -> memref<400x64xf32, #tpu.memory_space<vmem>>
      tpu.enqueue_dma source(%dma_start3A_72 : memref<400x64xf32, #tpu.memory_space<vmem>>) target(%dma_start3A_69 : memref<400x64xf32, #tpu.memory_space<vmem_shared>>) target_semaphore(%run_scoped3A_62 : memref<!tpu.dma_semaphore, #tpu.memory_space<semaphore_mem>>)
      %dma_wait3A_73 = arith.constant 0 : i32
      %dma_wait3A_74 = arith.constant 0 : i32
      %dma_wait3A_75 = tpu.memref_slice %arg8[%dma_wait3A_73, %dma_wait3A_74] : memref<400x64xf32, #tpu.memory_space<vmem>> -> memref<400x64xf32, #tpu.memory_space<vmem>>
      %dma_wait3A_76 = arith.constant 0 : i32
      %dma_wait3A_77 = tpu.memref_slice %arg10[%mul3A_13, %dma_wait3A_76] : memref<10112x64xf32, #tpu.memory_space<vmem_shared>> -> memref<400x64xf32, #tpu.memory_space<vmem_shared>>
      %dma_wait3A_78 = arith.constant 0 : i32
      %dma_wait3A_79 = tpu.memref_slice %arg10[%mul3A_13, %dma_wait3A_78] : memref<10112x64xf32, #tpu.memory_space<vmem_shared>> -> memref<400x64xf32, #tpu.memory_space<vmem_shared>>
      %dma_wait3A_80 = arith.constant 0 : i32
      %dma_wait3A_81 = arith.constant 0 : i32
      %dma_wait3A_82 = tpu.memref_slice %arg8[%dma_wait3A_80, %dma_wait3A_81] : memref<400x64xf32, #tpu.memory_space<vmem>> -> memref<400x64xf32, #tpu.memory_space<vmem>>
      tpu.wait_dma2 semaphore(%run_scoped3A_62 : memref<!tpu.dma_semaphore, #tpu.memory_space<semaphore_mem>>) src(%dma_wait3A_82 : memref<400x64xf32, #tpu.memory_space<vmem>>) dst(%dma_wait3A_79 : memref<400x64xf32, #tpu.memory_space<vmem_shared>>)
      tpu.yield
    }) : () -> ()
    %add3A_14 = arith.constant 400 : i32
    %add3A_15 = arith.addi %mul3A_13, %add3A_14 : i32
    "tpu.region"() ({
      %run_scoped3A_62 = tpu.sem_alloc : memref<!tpu.dma_semaphore, #tpu.memory_space<semaphore_mem>>
      %dma_start3A_63 = arith.constant 0 : i32
      %dma_start3A_64 = arith.constant 0 : i32
      %dma_start3A_65 = tpu.memref_slice %arg8[%dma_start3A_63, %dma_start3A_64] : memref<400x64xf32, #tpu.memory_space<vmem>> -> memref<232x64xf32, #tpu.memory_space<vmem>>
      %dma_start3A_66 = arith.constant 0 : i32
      %dma_start3A_67 = tpu.memref_slice %arg10[%add3A_15, %dma_start3A_66] : memref<10112x64xf32, #tpu.memory_space<vmem_shared>> -> memref<232x64xf32, #tpu.memory_space<vmem_shared>>
      %dma_start3A_68 = arith.constant 0 : i32
      %dma_start3A_69 = tpu.memref_slice %arg10[%add3A_15, %dma_start3A_68] : memref<10112x64xf32, #tpu.memory_space<vmem_shared>> -> memref<232x64xf32, #tpu.memory_space<vmem_shared>>
      %dma_start3A_70 = arith.constant 0 : i32
      %dma_start3A_71 = arith.constant 0 : i32
      %dma_start3A_72 = tpu.memref_slice %arg8[%dma_start3A_70, %dma_start3A_71] : memref<400x64xf32, #tpu.memory_space<vmem>> -> memref<232x64xf32, #tpu.memory_space<vmem>>
      tpu.enqueue_dma source(%dma_start3A_72 : memref<232x64xf32, #tpu.memory_space<vmem>>) target(%dma_start3A_69 : memref<232x64xf32, #tpu.memory_space<vmem_shared>>) target_semaphore(%run_scoped3A_62 : memref<!tpu.dma_semaphore, #tpu.memory_space<semaphore_mem>>)
      %dma_wait3A_73 = arith.constant 0 : i32
      %dma_wait3A_74 = arith.constant 0 : i32
      %dma_wait3A_75 = tpu.memref_slice %arg8[%dma_wait3A_73, %dma_wait3A_74] : memref<400x64xf32, #tpu.memory_space<vmem>> -> memref<232x64xf32, #tpu.memory_space<vmem>>
      %dma_wait3A_76 = arith.constant 0 : i32
      %dma_wait3A_77 = tpu.memref_slice %arg10[%add3A_15, %dma_wait3A_76] : memref<10112x64xf32, #tpu.memory_space<vmem_shared>> -> memref<232x64xf32, #tpu.memory_space<vmem_shared>>
      %dma_wait3A_78 = arith.constant 0 : i32
      %dma_wait3A_79 = tpu.memref_slice %arg10[%add3A_15, %dma_wait3A_78] : memref<10112x64xf32, #tpu.memory_space<vmem_shared>> -> memref<232x64xf32, #tpu.memory_space<vmem_shared>>
      %dma_wait3A_80 = arith.constant 0 : i32
      %dma_wait3A_81 = arith.constant 0 : i32
      %dma_wait3A_82 = tpu.memref_slice %arg8[%dma_wait3A_80, %dma_wait3A_81] : memref<400x64xf32, #tpu.memory_space<vmem>> -> memref<232x64xf32, #tpu.memory_space<vmem>>
      tpu.wait_dma2 semaphore(%run_scoped3A_62 : memref<!tpu.dma_semaphore, #tpu.memory_space<semaphore_mem>>) src(%dma_wait3A_82 : memref<232x64xf32, #tpu.memory_space<vmem>>) dst(%dma_wait3A_79 : memref<232x64xf32, #tpu.memory_space<vmem_shared>>)
      tpu.yield
    }) : () -> ()
    %add3A_16 = arith.constant 232 : i32
    %add3A_17 = arith.addi %add3A_15, %add3A_16 : i32
    %barrier3A = arith.constant 0 : index
    tpu.barrier barrier_id(%barrier3A)
    %dma_start3A = arith.constant 0 : i32
    %dma_start3A_18 = arith.constant 0 : i32
    %dma_start3A_19 = tpu.memref_slice %arg6[%dma_start3A, %dma_start3A_18] : memref<25x400xi32, #tpu.memory_space<vmem>> -> memref<1x400xi32, #tpu.memory_space<vmem>>
    %dma_start3A_20 = tpu.memref_squeeze %dma_start3A_19 : memref<1x400xi32, #tpu.memory_space<vmem>> -> memref<400xi32, #tpu.memory_space<vmem>>
    %dma_start3A_21 = arith.constant 0 : i32
    %dma_start3A_22 = arith.constant 0 : i32
    %dma_start3A_23 = tpu.memref_slice %arg2[%dma_start3A_21, %dma_start3A_22] : memref<10000x64xf32, #tpu.memory_space<hbm>> -> memref<10000x64xf32, #tpu.memory_space<hbm>>
    tpu.enqueue_indirect_dma source(%dma_start3A_23 : memref<10000x64xf32, #tpu.memory_space<hbm>>) target(%arg8 : memref<400x64xf32, #tpu.memory_space<vmem>>) offsets(%dma_start3A_20 : memref<400xi32, #tpu.memory_space<vmem>>) semaphore(%arg11 : memref<!tpu.dma_semaphore, #tpu.memory_space<semaphore_mem>>)
    %scan3A_24 = arith.constant 0 : i32
    %scan3A_25 = arith.constant 0 : i32
    %scan3A_26 = arith.constant 12 : i32
    %scan3A_27 = arith.addi %scan3A_25, %scan3A_26 : i32
    %scan3A_28 = arith.constant 1 : i32
    %scan3A_29 = scf.for %scan3A_62 = %scan3A_25 to %scan3A_27 step %scan3A_28 iter_args(%scan3A_63 = %scan3A_24) -> (i32)  : i32 {
      %mul3A_64 = arith.constant 2 : i32
      %mul3A_65 = arith.muli %mul3A_64, %scan3A_62 : i32
      %add3A_66 = arith.constant 1 : i32
      %add3A_67 = arith.addi %mul3A_65, %add3A_66 : i32
      %dma_start3A_68 = arith.constant 0 : i32
      %dma_start3A_69 = tpu.memref_slice %arg6[%add3A_67, %dma_start3A_68] : memref<25x400xi32, #tpu.memory_space<vmem>> -> memref<1x400xi32, #tpu.memory_space<vmem>>
      %dma_start3A_70 = tpu.memref_squeeze %dma_start3A_69 : memref<1x400xi32, #tpu.memory_space<vmem>> -> memref<400xi32, #tpu.memory_space<vmem>>
      %dma_start3A_71 = arith.constant 0 : i32
      %dma_start3A_72 = arith.constant 0 : i32
      %dma_start3A_73 = tpu.memref_slice %arg2[%dma_start3A_71, %dma_start3A_72] : memref<10000x64xf32, #tpu.memory_space<hbm>> -> memref<10000x64xf32, #tpu.memory_space<hbm>>
      tpu.enqueue_indirect_dma source(%dma_start3A_73 : memref<10000x64xf32, #tpu.memory_space<hbm>>) target(%arg9 : memref<400x64xf32, #tpu.memory_space<vmem>>) offsets(%dma_start3A_70 : memref<400xi32, #tpu.memory_space<vmem>>) semaphore(%arg12 : memref<!tpu.dma_semaphore, #tpu.memory_space<semaphore_mem>>)
      %mul3A_74 = arith.constant 2 : i32
      %mul3A_75 = arith.muli %mul3A_74, %scan3A_62 : i32
      %dma_wait3A_76 = arith.constant 0 : i32
      %dma_wait3A_77 = tpu.memref_slice %arg6[%mul3A_75, %dma_wait3A_76] : memref<25x400xi32, #tpu.memory_space<vmem>> -> memref<1x400xi32, #tpu.memory_space<vmem>>
      %dma_wait3A_78 = tpu.memref_squeeze %dma_wait3A_77 : memref<1x400xi32, #tpu.memory_space<vmem>> -> memref<400xi32, #tpu.memory_space<vmem>>
      %dma_wait3A_79 = arith.constant 0 : i32
      %dma_wait3A_80 = arith.constant 0 : i32
      %dma_wait3A_81 = tpu.memref_slice %arg2[%dma_wait3A_79, %dma_wait3A_80] : memref<10000x64xf32, #tpu.memory_space<hbm>> -> memref<10000x64xf32, #tpu.memory_space<hbm>>
      tpu.wait_indirect_dma semaphore(%arg11 : memref<!tpu.dma_semaphore, #tpu.memory_space<semaphore_mem>>) src(%dma_wait3A_81 : memref<10000x64xf32, #tpu.memory_space<hbm>>) dst(%arg8 : memref<400x64xf32, #tpu.memory_space<vmem>>)
      "tpu.region"() ({
        %run_scoped3A_103 = tpu.sem_alloc : memref<!tpu.dma_semaphore, #tpu.memory_space<semaphore_mem>>
        %dma_start3A_104 = arith.constant 0 : i32
        %dma_start3A_105 = tpu.memref_slice %arg7[%mul3A_75, %dma_start3A_104] : memref<25x400xi32, #tpu.memory_space<vmem>> -> memref<1x400xi32, #tpu.memory_space<vmem>>
        %dma_start3A_106 = tpu.memref_squeeze %dma_start3A_105 : memref<1x400xi32, #tpu.memory_space<vmem>> -> memref<400xi32, #tpu.memory_space<vmem>>
        %dma_start3A_107 = arith.constant 0 : i32
        %dma_start3A_108 = arith.constant 0 : i32
        %dma_start3A_109 = tpu.memref_slice %arg10[%dma_start3A_107, %dma_start3A_108] : memref<10112x64xf32, #tpu.memory_space<vmem_shared>> -> memref<10112x64xf32, #tpu.memory_space<vmem_shared>>
        tpu.enqueue_indirect_dma source(%arg8 : memref<400x64xf32, #tpu.memory_space<vmem>>) target(%dma_start3A_109 : memref<10112x64xf32, #tpu.memory_space<vmem_shared>>) offsets(%dma_start3A_106 : memref<400xi32, #tpu.memory_space<vmem>>) semaphore(%run_scoped3A_103 : memref<!tpu.dma_semaphore, #tpu.memory_space<semaphore_mem>>) {add = true}
        %dma_wait3A_110 = arith.constant 0 : i32
        %dma_wait3A_111 = tpu.memref_slice %arg7[%mul3A_75, %dma_wait3A_110] : memref<25x400xi32, #tpu.memory_space<vmem>> -> memref<1x400xi32, #tpu.memory_space<vmem>>
        %dma_wait3A_112 = tpu.memref_squeeze %dma_wait3A_111 : memref<1x400xi32, #tpu.memory_space<vmem>> -> memref<400xi32, #tpu.memory_space<vmem>>
        %dma_wait3A_113 = arith.constant 0 : i32
        %dma_wait3A_114 = arith.constant 0 : i32
        %dma_wait3A_115 = tpu.memref_slice %arg10[%dma_wait3A_113, %dma_wait3A_114] : memref<10112x64xf32, #tpu.memory_space<vmem_shared>> -> memref<10112x64xf32, #tpu.memory_space<vmem_shared>>
        tpu.wait_indirect_dma semaphore(%run_scoped3A_103 : memref<!tpu.dma_semaphore, #tpu.memory_space<semaphore_mem>>) src(%arg8 : memref<400x64xf32, #tpu.memory_space<vmem>>) dst(%dma_wait3A_115 : memref<10112x64xf32, #tpu.memory_space<vmem_shared>>)
        tpu.yield
      }) : () -> ()
      %mul3A_82 = arith.constant 2 : i32
      %mul3A_83 = arith.muli %mul3A_82, %scan3A_62 : i32
      %add3A_84 = arith.constant 2 : i32
      %add3A_85 = arith.addi %mul3A_83, %add3A_84 : i32
      %dma_start3A_86 = arith.constant 0 : i32
      %dma_start3A_87 = tpu.memref_slice %arg6[%add3A_85, %dma_start3A_86] : memref<25x400xi32, #tpu.memory_space<vmem>> -> memref<1x400xi32, #tpu.memory_space<vmem>>
      %dma_start3A_88 = tpu.memref_squeeze %dma_start3A_87 : memref<1x400xi32, #tpu.memory_space<vmem>> -> memref<400xi32, #tpu.memory_space<vmem>>
      %dma_start3A_89 = arith.constant 0 : i32
      %dma_start3A_90 = arith.constant 0 : i32
      %dma_start3A_91 = tpu.memref_slice %arg2[%dma_start3A_89, %dma_start3A_90] : memref<10000x64xf32, #tpu.memory_space<hbm>> -> memref<10000x64xf32, #tpu.memory_space<hbm>>
      tpu.enqueue_indirect_dma source(%dma_start3A_91 : memref<10000x64xf32, #tpu.memory_space<hbm>>) target(%arg8 : memref<400x64xf32, #tpu.memory_space<vmem>>) offsets(%dma_start3A_88 : memref<400xi32, #tpu.memory_space<vmem>>) semaphore(%arg11 : memref<!tpu.dma_semaphore, #tpu.memory_space<semaphore_mem>>)
      %mul3A_92 = arith.constant 2 : i32
      %mul3A_93 = arith.muli %mul3A_92, %scan3A_62 : i32
      %add3A_94 = arith.constant 1 : i32
      %add3A_95 = arith.addi %mul3A_93, %add3A_94 : i32
      %dma_wait3A_96 = arith.constant 0 : i32
      %dma_wait3A_97 = tpu.memref_slice %arg6[%add3A_95, %dma_wait3A_96] : memref<25x400xi32, #tpu.memory_space<vmem>> -> memref<1x400xi32, #tpu.memory_space<vmem>>
      %dma_wait3A_98 = tpu.memref_squeeze %dma_wait3A_97 : memref<1x400xi32, #tpu.memory_space<vmem>> -> memref<400xi32, #tpu.memory_space<vmem>>
      %dma_wait3A_99 = arith.constant 0 : i32
      %dma_wait3A_100 = arith.constant 0 : i32
      %dma_wait3A_101 = tpu.memref_slice %arg2[%dma_wait3A_99, %dma_wait3A_100] : memref<10000x64xf32, #tpu.memory_space<hbm>> -> memref<10000x64xf32, #tpu.memory_space<hbm>>
      tpu.wait_indirect_dma semaphore(%arg12 : memref<!tpu.dma_semaphore, #tpu.memory_space<semaphore_mem>>) src(%dma_wait3A_101 : memref<10000x64xf32, #tpu.memory_space<hbm>>) dst(%arg9 : memref<400x64xf32, #tpu.memory_space<vmem>>)
      "tpu.region"() ({
        %run_scoped3A_103 = tpu.sem_alloc : memref<!tpu.dma_semaphore, #tpu.memory_space<semaphore_mem>>
        %dma_start3A_104 = arith.constant 0 : i32
        %dma_start3A_105 = tpu.memref_slice %arg7[%add3A_95, %dma_start3A_104] : memref<25x400xi32, #tpu.memory_space<vmem>> -> memref<1x400xi32, #tpu.memory_space<vmem>>
        %dma_start3A_106 = tpu.memref_squeeze %dma_start3A_105 : memref<1x400xi32, #tpu.memory_space<vmem>> -> memref<400xi32, #tpu.memory_space<vmem>>
        %dma_start3A_107 = arith.constant 0 : i32
        %dma_start3A_108 = arith.constant 0 : i32
        %dma_start3A_109 = tpu.memref_slice %arg10[%dma_start3A_107, %dma_start3A_108] : memref<10112x64xf32, #tpu.memory_space<vmem_shared>> -> memref<10112x64xf32, #tpu.memory_space<vmem_shared>>
        tpu.enqueue_indirect_dma source(%arg9 : memref<400x64xf32, #tpu.memory_space<vmem>>) target(%dma_start3A_109 : memref<10112x64xf32, #tpu.memory_space<vmem_shared>>) offsets(%dma_start3A_106 : memref<400xi32, #tpu.memory_space<vmem>>) semaphore(%run_scoped3A_103 : memref<!tpu.dma_semaphore, #tpu.memory_space<semaphore_mem>>) {add = true}
        %dma_wait3A_110 = arith.constant 0 : i32
        %dma_wait3A_111 = tpu.memref_slice %arg7[%add3A_95, %dma_wait3A_110] : memref<25x400xi32, #tpu.memory_space<vmem>> -> memref<1x400xi32, #tpu.memory_space<vmem>>
        %dma_wait3A_112 = tpu.memref_squeeze %dma_wait3A_111 : memref<1x400xi32, #tpu.memory_space<vmem>> -> memref<400xi32, #tpu.memory_space<vmem>>
        %dma_wait3A_113 = arith.constant 0 : i32
        %dma_wait3A_114 = arith.constant 0 : i32
        %dma_wait3A_115 = tpu.memref_slice %arg10[%dma_wait3A_113, %dma_wait3A_114] : memref<10112x64xf32, #tpu.memory_space<vmem_shared>> -> memref<10112x64xf32, #tpu.memory_space<vmem_shared>>
        tpu.wait_indirect_dma semaphore(%run_scoped3A_103 : memref<!tpu.dma_semaphore, #tpu.memory_space<semaphore_mem>>) src(%arg9 : memref<400x64xf32, #tpu.memory_space<vmem>>) dst(%dma_wait3A_115 : memref<10112x64xf32, #tpu.memory_space<vmem_shared>>)
        tpu.yield
      }) : () -> ()
      %scan3A_102 = arith.constant 0 : i32
      scf.yield %scan3A_102 : i32
    }
    %scan3A_30 = arith.constant 12 : i32
    %dma_wait3A = arith.constant 24 : i32
    %dma_wait3A_31 = arith.constant 0 : i32
    %dma_wait3A_32 = tpu.memref_slice %arg6[%dma_wait3A, %dma_wait3A_31] : memref<25x400xi32, #tpu.memory_space<vmem>> -> memref<1x400xi32, #tpu.memory_space<vmem>>
    %dma_wait3A_33 = tpu.memref_squeeze %dma_wait3A_32 : memref<1x400xi32, #tpu.memory_space<vmem>> -> memref<400xi32, #tpu.memory_space<vmem>>
    %dma_wait3A_34 = arith.constant 0 : i32
    %dma_wait3A_35 = arith.constant 0 : i32
    %dma_wait3A_36 = tpu.memref_slice %arg2[%dma_wait3A_34, %dma_wait3A_35] : memref<10000x64xf32, #tpu.memory_space<hbm>> -> memref<10000x64xf32, #tpu.memory_space<hbm>>
    tpu.wait_indirect_dma semaphore(%arg11 : memref<!tpu.dma_semaphore, #tpu.memory_space<semaphore_mem>>) src(%dma_wait3A_36 : memref<10000x64xf32, #tpu.memory_space<hbm>>) dst(%arg8 : memref<400x64xf32, #tpu.memory_space<vmem>>)
    %run_scoped3A_37 = arith.constant 24 : i32
    "tpu.region"() ({
      %run_scoped3A_62 = tpu.sem_alloc : memref<!tpu.dma_semaphore, #tpu.memory_space<semaphore_mem>>
      %dma_start3A_63 = arith.constant 0 : i32
      %dma_start3A_64 = tpu.memref_slice %arg7[%run_scoped3A_37, %dma_start3A_63] : memref<25x400xi32, #tpu.memory_space<vmem>> -> memref<1x400xi32, #tpu.memory_space<vmem>>
      %dma_start3A_65 = tpu.memref_squeeze %dma_start3A_64 : memref<1x400xi32, #tpu.memory_space<vmem>> -> memref<400xi32, #tpu.memory_space<vmem>>
      %dma_start3A_66 = arith.constant 0 : i32
      %dma_start3A_67 = arith.constant 0 : i32
      %dma_start3A_68 = tpu.memref_slice %arg10[%dma_start3A_66, %dma_start3A_67] : memref<10112x64xf32, #tpu.memory_space<vmem_shared>> -> memref<10112x64xf32, #tpu.memory_space<vmem_shared>>
      tpu.enqueue_indirect_dma source(%arg8 : memref<400x64xf32, #tpu.memory_space<vmem>>) target(%dma_start3A_68 : memref<10112x64xf32, #tpu.memory_space<vmem_shared>>) offsets(%dma_start3A_65 : memref<400xi32, #tpu.memory_space<vmem>>) semaphore(%run_scoped3A_62 : memref<!tpu.dma_semaphore, #tpu.memory_space<semaphore_mem>>) {add = true}
      %dma_wait3A_69 = arith.constant 0 : i32
      %dma_wait3A_70 = tpu.memref_slice %arg7[%run_scoped3A_37, %dma_wait3A_69] : memref<25x400xi32, #tpu.memory_space<vmem>> -> memref<1x400xi32, #tpu.memory_space<vmem>>
      %dma_wait3A_71 = tpu.memref_squeeze %dma_wait3A_70 : memref<1x400xi32, #tpu.memory_space<vmem>> -> memref<400xi32, #tpu.memory_space<vmem>>
      %dma_wait3A_72 = arith.constant 0 : i32
      %dma_wait3A_73 = arith.constant 0 : i32
      %dma_wait3A_74 = tpu.memref_slice %arg10[%dma_wait3A_72, %dma_wait3A_73] : memref<10112x64xf32, #tpu.memory_space<vmem_shared>> -> memref<10112x64xf32, #tpu.memory_space<vmem_shared>>
      tpu.wait_indirect_dma semaphore(%run_scoped3A_62 : memref<!tpu.dma_semaphore, #tpu.memory_space<semaphore_mem>>) src(%arg8 : memref<400x64xf32, #tpu.memory_space<vmem>>) dst(%dma_wait3A_74 : memref<10112x64xf32, #tpu.memory_space<vmem_shared>>)
      tpu.yield
    }) : () -> ()
    %barrier3A_38 = arith.constant 0 : index
    tpu.barrier barrier_id(%barrier3A_38)
    %mul3A_39 = arith.constant 632 : i32
    %mul3A_40 = arith.muli %arg1, %mul3A_39 : i32
    "tpu.region"() ({
      %run_scoped3A_62 = tpu.sem_alloc : memref<!tpu.dma_semaphore, #tpu.memory_space<semaphore_mem>>
      %dma_start3A_63 = arith.constant 0 : i32
      %dma_start3A_64 = arith.constant 0 : i32
      %dma_start3A_65 = tpu.memref_slice %arg8[%dma_start3A_63, %dma_start3A_64] : memref<400x64xf32, #tpu.memory_space<vmem>> -> memref<400x64xf32, #tpu.memory_space<vmem>>
      %dma_start3A_66 = arith.constant 0 : i32
      %dma_start3A_67 = tpu.memref_slice %arg10[%mul3A_40, %dma_start3A_66] : memref<10112x64xf32, #tpu.memory_space<vmem_shared>> -> memref<400x64xf32, #tpu.memory_space<vmem_shared>>
      %dma_start3A_68 = arith.constant 0 : i32
      %dma_start3A_69 = arith.constant 0 : i32
      %dma_start3A_70 = tpu.memref_slice %arg8[%dma_start3A_68, %dma_start3A_69] : memref<400x64xf32, #tpu.memory_space<vmem>> -> memref<400x64xf32, #tpu.memory_space<vmem>>
      %dma_start3A_71 = arith.constant 0 : i32
      %dma_start3A_72 = tpu.memref_slice %arg10[%mul3A_40, %dma_start3A_71] : memref<10112x64xf32, #tpu.memory_space<vmem_shared>> -> memref<400x64xf32, #tpu.memory_space<vmem_shared>>
      tpu.enqueue_dma source(%dma_start3A_72 : memref<400x64xf32, #tpu.memory_space<vmem_shared>>) target(%dma_start3A_70 : memref<400x64xf32, #tpu.memory_space<vmem>>) target_semaphore(%run_scoped3A_62 : memref<!tpu.dma_semaphore, #tpu.memory_space<semaphore_mem>>)
      %dma_wait3A_73 = arith.constant 0 : i32
      %dma_wait3A_74 = arith.constant 0 : i32
      %dma_wait3A_75 = tpu.memref_slice %arg8[%dma_wait3A_73, %dma_wait3A_74] : memref<400x64xf32, #tpu.memory_space<vmem>> -> memref<400x64xf32, #tpu.memory_space<vmem>>
      %dma_wait3A_76 = arith.constant 0 : i32
      %dma_wait3A_77 = tpu.memref_slice %arg10[%mul3A_40, %dma_wait3A_76] : memref<10112x64xf32, #tpu.memory_space<vmem_shared>> -> memref<400x64xf32, #tpu.memory_space<vmem_shared>>
      %dma_wait3A_78 = arith.constant 0 : i32
      %dma_wait3A_79 = arith.constant 0 : i32
      %dma_wait3A_80 = tpu.memref_slice %arg8[%dma_wait3A_78, %dma_wait3A_79] : memref<400x64xf32, #tpu.memory_space<vmem>> -> memref<400x64xf32, #tpu.memory_space<vmem>>
      %dma_wait3A_81 = arith.constant 0 : i32
      %dma_wait3A_82 = tpu.memref_slice %arg10[%mul3A_40, %dma_wait3A_81] : memref<10112x64xf32, #tpu.memory_space<vmem_shared>> -> memref<400x64xf32, #tpu.memory_space<vmem_shared>>
      tpu.wait_dma2 semaphore(%run_scoped3A_62 : memref<!tpu.dma_semaphore, #tpu.memory_space<semaphore_mem>>) src(%dma_wait3A_82 : memref<400x64xf32, #tpu.memory_space<vmem_shared>>) dst(%dma_wait3A_80 : memref<400x64xf32, #tpu.memory_space<vmem>>)
      tpu.yield
    }) : () -> ()
    %eq3A = arith.constant 0 : i32
    %eq3A_41 = arith.cmpi eq, %arg0, %eq3A : i32
    %convert_element_type3A = arith.extui %eq3A_41 : i1 to i32
    %cond3A = arith.constant 0 : i32
    %cond3A_42 = arith.cmpi ne, %convert_element_type3A, %cond3A : i32
    scf.if %cond3A_42 {
      "tpu.region"() ({
        %run_scoped3A_62 = tpu.sem_alloc : memref<!tpu.dma_semaphore, #tpu.memory_space<semaphore_mem>>
        %dma_start3A_63 = arith.constant 0 : i32
        %dma_start3A_64 = arith.constant 0 : i32
        %dma_start3A_65 = tpu.memref_slice %arg8[%dma_start3A_63, %dma_start3A_64] : memref<400x64xf32, #tpu.memory_space<vmem>> -> memref<400x64xf32, #tpu.memory_space<vmem>>
        %dma_start3A_66 = arith.constant 0 : i32
        %dma_start3A_67 = tpu.memref_slice %arg4[%mul3A_40, %dma_start3A_66] : memref<10112x64xf32, #tpu.memory_space<hbm>> -> memref<400x64xf32, #tpu.memory_space<hbm>>
        %dma_start3A_68 = arith.constant 0 : i32
        %dma_start3A_69 = tpu.memref_slice %arg4[%mul3A_40, %dma_start3A_68] : memref<10112x64xf32, #tpu.memory_space<hbm>> -> memref<400x64xf32, #tpu.memory_space<hbm>>
        %dma_start3A_70 = arith.constant 0 : i32
        %dma_start3A_71 = arith.constant 0 : i32
        %dma_start3A_72 = tpu.memref_slice %arg8[%dma_start3A_70, %dma_start3A_71] : memref<400x64xf32, #tpu.memory_space<vmem>> -> memref<400x64xf32, #tpu.memory_space<vmem>>
        tpu.enqueue_dma source(%dma_start3A_72 : memref<400x64xf32, #tpu.memory_space<vmem>>) target(%dma_start3A_69 : memref<400x64xf32, #tpu.memory_space<hbm>>) target_semaphore(%run_scoped3A_62 : memref<!tpu.dma_semaphore, #tpu.memory_space<semaphore_mem>>)
        %dma_wait3A_73 = arith.constant 0 : i32
        %dma_wait3A_74 = arith.constant 0 : i32
        %dma_wait3A_75 = tpu.memref_slice %arg8[%dma_wait3A_73, %dma_wait3A_74] : memref<400x64xf32, #tpu.memory_space<vmem>> -> memref<400x64xf32, #tpu.memory_space<vmem>>
        %dma_wait3A_76 = arith.constant 0 : i32
        %dma_wait3A_77 = tpu.memref_slice %arg4[%mul3A_40, %dma_wait3A_76] : memref<10112x64xf32, #tpu.memory_space<hbm>> -> memref<400x64xf32, #tpu.memory_space<hbm>>
        %dma_wait3A_78 = arith.constant 0 : i32
        %dma_wait3A_79 = tpu.memref_slice %arg4[%mul3A_40, %dma_wait3A_78] : memref<10112x64xf32, #tpu.memory_space<hbm>> -> memref<400x64xf32, #tpu.memory_space<hbm>>
        %dma_wait3A_80 = arith.constant 0 : i32
        %dma_wait3A_81 = arith.constant 0 : i32
        %dma_wait3A_82 = tpu.memref_slice %arg8[%dma_wait3A_80, %dma_wait3A_81] : memref<400x64xf32, #tpu.memory_space<vmem>> -> memref<400x64xf32, #tpu.memory_space<vmem>>
        tpu.wait_dma2 semaphore(%run_scoped3A_62 : memref<!tpu.dma_semaphore, #tpu.memory_space<semaphore_mem>>) src(%dma_wait3A_82 : memref<400x64xf32, #tpu.memory_space<vmem>>) dst(%dma_wait3A_79 : memref<400x64xf32, #tpu.memory_space<hbm>>)
        tpu.yield
      }) : () -> ()
    } else {
    }
    %eq3A_43 = arith.constant 1 : i32
    %eq3A_44 = arith.cmpi eq, %arg0, %eq3A_43 : i32
    %convert_element_type3A_45 = arith.extui %eq3A_44 : i1 to i32
    %cond3A_46 = arith.constant 0 : i32
    %cond3A_47 = arith.cmpi ne, %convert_element_type3A_45, %cond3A_46 : i32
    scf.if %cond3A_47 {
      "tpu.region"() ({
        %run_scoped3A_62 = tpu.sem_alloc : memref<!tpu.dma_semaphore, #tpu.memory_space<semaphore_mem>>
        %dma_start3A_63 = arith.constant 0 : i32
        %dma_start3A_64 = arith.constant 0 : i32
        %dma_start3A_65 = tpu.memref_slice %arg8[%dma_start3A_63, %dma_start3A_64] : memref<400x64xf32, #tpu.memory_space<vmem>> -> memref<400x64xf32, #tpu.memory_space<vmem>>
        %dma_start3A_66 = arith.constant 0 : i32
        %dma_start3A_67 = tpu.memref_slice %arg5[%mul3A_40, %dma_start3A_66] : memref<10112x64xf32, #tpu.memory_space<hbm>> -> memref<400x64xf32, #tpu.memory_space<hbm>>
        %dma_start3A_68 = arith.constant 0 : i32
        %dma_start3A_69 = tpu.memref_slice %arg5[%mul3A_40, %dma_start3A_68] : memref<10112x64xf32, #tpu.memory_space<hbm>> -> memref<400x64xf32, #tpu.memory_space<hbm>>
        %dma_start3A_70 = arith.constant 0 : i32
        %dma_start3A_71 = arith.constant 0 : i32
        %dma_start3A_72 = tpu.memref_slice %arg8[%dma_start3A_70, %dma_start3A_71] : memref<400x64xf32, #tpu.memory_space<vmem>> -> memref<400x64xf32, #tpu.memory_space<vmem>>
        tpu.enqueue_dma source(%dma_start3A_72 : memref<400x64xf32, #tpu.memory_space<vmem>>) target(%dma_start3A_69 : memref<400x64xf32, #tpu.memory_space<hbm>>) target_semaphore(%run_scoped3A_62 : memref<!tpu.dma_semaphore, #tpu.memory_space<semaphore_mem>>)
        %dma_wait3A_73 = arith.constant 0 : i32
        %dma_wait3A_74 = arith.constant 0 : i32
        %dma_wait3A_75 = tpu.memref_slice %arg8[%dma_wait3A_73, %dma_wait3A_74] : memref<400x64xf32, #tpu.memory_space<vmem>> -> memref<400x64xf32, #tpu.memory_space<vmem>>
        %dma_wait3A_76 = arith.constant 0 : i32
        %dma_wait3A_77 = tpu.memref_slice %arg5[%mul3A_40, %dma_wait3A_76] : memref<10112x64xf32, #tpu.memory_space<hbm>> -> memref<400x64xf32, #tpu.memory_space<hbm>>
        %dma_wait3A_78 = arith.constant 0 : i32
        %dma_wait3A_79 = tpu.memref_slice %arg5[%mul3A_40, %dma_wait3A_78] : memref<10112x64xf32, #tpu.memory_space<hbm>> -> memref<400x64xf32, #tpu.memory_space<hbm>>
        %dma_wait3A_80 = arith.constant 0 : i32
        %dma_wait3A_81 = arith.constant 0 : i32
        %dma_wait3A_82 = tpu.memref_slice %arg8[%dma_wait3A_80, %dma_wait3A_81] : memref<400x64xf32, #tpu.memory_space<vmem>> -> memref<400x64xf32, #tpu.memory_space<vmem>>
        tpu.wait_dma2 semaphore(%run_scoped3A_62 : memref<!tpu.dma_semaphore, #tpu.memory_space<semaphore_mem>>) src(%dma_wait3A_82 : memref<400x64xf32, #tpu.memory_space<vmem>>) dst(%dma_wait3A_79 : memref<400x64xf32, #tpu.memory_space<hbm>>)
        tpu.yield
      }) : () -> ()
    } else {
    }
    %add3A_48 = arith.constant 400 : i32
    %add3A_49 = arith.addi %mul3A_40, %add3A_48 : i32
    "tpu.region"() ({
      %run_scoped3A_62 = tpu.sem_alloc : memref<!tpu.dma_semaphore, #tpu.memory_space<semaphore_mem>>
      %dma_start3A_63 = arith.constant 0 : i32
      %dma_start3A_64 = arith.constant 0 : i32
      %dma_start3A_65 = tpu.memref_slice %arg8[%dma_start3A_63, %dma_start3A_64] : memref<400x64xf32, #tpu.memory_space<vmem>> -> memref<232x64xf32, #tpu.memory_space<vmem>>
      %dma_start3A_66 = arith.constant 0 : i32
      %dma_start3A_67 = tpu.memref_slice %arg10[%add3A_49, %dma_start3A_66] : memref<10112x64xf32, #tpu.memory_space<vmem_shared>> -> memref<232x64xf32, #tpu.memory_space<vmem_shared>>
      %dma_start3A_68 = arith.constant 0 : i32
      %dma_start3A_69 = arith.constant 0 : i32
      %dma_start3A_70 = tpu.memref_slice %arg8[%dma_start3A_68, %dma_start3A_69] : memref<400x64xf32, #tpu.memory_space<vmem>> -> memref<232x64xf32, #tpu.memory_space<vmem>>
      %dma_start3A_71 = arith.constant 0 : i32
      %dma_start3A_72 = tpu.memref_slice %arg10[%add3A_49, %dma_start3A_71] : memref<10112x64xf32, #tpu.memory_space<vmem_shared>> -> memref<232x64xf32, #tpu.memory_space<vmem_shared>>
      tpu.enqueue_dma source(%dma_start3A_72 : memref<232x64xf32, #tpu.memory_space<vmem_shared>>) target(%dma_start3A_70 : memref<232x64xf32, #tpu.memory_space<vmem>>) target_semaphore(%run_scoped3A_62 : memref<!tpu.dma_semaphore, #tpu.memory_space<semaphore_mem>>)
      %dma_wait3A_73 = arith.constant 0 : i32
      %dma_wait3A_74 = arith.constant 0 : i32
      %dma_wait3A_75 = tpu.memref_slice %arg8[%dma_wait3A_73, %dma_wait3A_74] : memref<400x64xf32, #tpu.memory_space<vmem>> -> memref<232x64xf32, #tpu.memory_space<vmem>>
      %dma_wait3A_76 = arith.constant 0 : i32
      %dma_wait3A_77 = tpu.memref_slice %arg10[%add3A_49, %dma_wait3A_76] : memref<10112x64xf32, #tpu.memory_space<vmem_shared>> -> memref<232x64xf32, #tpu.memory_space<vmem_shared>>
      %dma_wait3A_78 = arith.constant 0 : i32
      %dma_wait3A_79 = arith.constant 0 : i32
      %dma_wait3A_80 = tpu.memref_slice %arg8[%dma_wait3A_78, %dma_wait3A_79] : memref<400x64xf32, #tpu.memory_space<vmem>> -> memref<232x64xf32, #tpu.memory_space<vmem>>
      %dma_wait3A_81 = arith.constant 0 : i32
      %dma_wait3A_82 = tpu.memref_slice %arg10[%add3A_49, %dma_wait3A_81] : memref<10112x64xf32, #tpu.memory_space<vmem_shared>> -> memref<232x64xf32, #tpu.memory_space<vmem_shared>>
      tpu.wait_dma2 semaphore(%run_scoped3A_62 : memref<!tpu.dma_semaphore, #tpu.memory_space<semaphore_mem>>) src(%dma_wait3A_82 : memref<232x64xf32, #tpu.memory_space<vmem_shared>>) dst(%dma_wait3A_80 : memref<232x64xf32, #tpu.memory_space<vmem>>)
      tpu.yield
    }) : () -> ()
    %eq3A_50 = arith.constant 0 : i32
    %eq3A_51 = arith.cmpi eq, %arg0, %eq3A_50 : i32
    %convert_element_type3A_52 = arith.extui %eq3A_51 : i1 to i32
    %cond3A_53 = arith.constant 0 : i32
    %cond3A_54 = arith.cmpi ne, %convert_element_type3A_52, %cond3A_53 : i32
    scf.if %cond3A_54 {
      "tpu.region"() ({
        %run_scoped3A_62 = tpu.sem_alloc : memref<!tpu.dma_semaphore, #tpu.memory_space<semaphore_mem>>
        %dma_start3A_63 = arith.constant 0 : i32
        %dma_start3A_64 = arith.constant 0 : i32
        %dma_start3A_65 = tpu.memref_slice %arg8[%dma_start3A_63, %dma_start3A_64] : memref<400x64xf32, #tpu.memory_space<vmem>> -> memref<232x64xf32, #tpu.memory_space<vmem>>
        %dma_start3A_66 = arith.constant 0 : i32
        %dma_start3A_67 = tpu.memref_slice %arg4[%add3A_49, %dma_start3A_66] : memref<10112x64xf32, #tpu.memory_space<hbm>> -> memref<232x64xf32, #tpu.memory_space<hbm>>
        %dma_start3A_68 = arith.constant 0 : i32
        %dma_start3A_69 = tpu.memref_slice %arg4[%add3A_49, %dma_start3A_68] : memref<10112x64xf32, #tpu.memory_space<hbm>> -> memref<232x64xf32, #tpu.memory_space<hbm>>
        %dma_start3A_70 = arith.constant 0 : i32
        %dma_start3A_71 = arith.constant 0 : i32
        %dma_start3A_72 = tpu.memref_slice %arg8[%dma_start3A_70, %dma_start3A_71] : memref<400x64xf32, #tpu.memory_space<vmem>> -> memref<232x64xf32, #tpu.memory_space<vmem>>
        tpu.enqueue_dma source(%dma_start3A_72 : memref<232x64xf32, #tpu.memory_space<vmem>>) target(%dma_start3A_69 : memref<232x64xf32, #tpu.memory_space<hbm>>) target_semaphore(%run_scoped3A_62 : memref<!tpu.dma_semaphore, #tpu.memory_space<semaphore_mem>>)
        %dma_wait3A_73 = arith.constant 0 : i32
        %dma_wait3A_74 = arith.constant 0 : i32
        %dma_wait3A_75 = tpu.memref_slice %arg8[%dma_wait3A_73, %dma_wait3A_74] : memref<400x64xf32, #tpu.memory_space<vmem>> -> memref<232x64xf32, #tpu.memory_space<vmem>>
        %dma_wait3A_76 = arith.constant 0 : i32
        %dma_wait3A_77 = tpu.memref_slice %arg4[%add3A_49, %dma_wait3A_76] : memref<10112x64xf32, #tpu.memory_space<hbm>> -> memref<232x64xf32, #tpu.memory_space<hbm>>
        %dma_wait3A_78 = arith.constant 0 : i32
        %dma_wait3A_79 = tpu.memref_slice %arg4[%add3A_49, %dma_wait3A_78] : memref<10112x64xf32, #tpu.memory_space<hbm>> -> memref<232x64xf32, #tpu.memory_space<hbm>>
        %dma_wait3A_80 = arith.constant 0 : i32
        %dma_wait3A_81 = arith.constant 0 : i32
        %dma_wait3A_82 = tpu.memref_slice %arg8[%dma_wait3A_80, %dma_wait3A_81] : memref<400x64xf32, #tpu.memory_space<vmem>> -> memref<232x64xf32, #tpu.memory_space<vmem>>
        tpu.wait_dma2 semaphore(%run_scoped3A_62 : memref<!tpu.dma_semaphore, #tpu.memory_space<semaphore_mem>>) src(%dma_wait3A_82 : memref<232x64xf32, #tpu.memory_space<vmem>>) dst(%dma_wait3A_79 : memref<232x64xf32, #tpu.memory_space<hbm>>)
        tpu.yield
      }) : () -> ()
    } else {
    }
    %eq3A_55 = arith.constant 1 : i32
    %eq3A_56 = arith.cmpi eq, %arg0, %eq3A_55 : i32
    %convert_element_type3A_57 = arith.extui %eq3A_56 : i1 to i32
    %cond3A_58 = arith.constant 0 : i32
    %cond3A_59 = arith.cmpi ne, %convert_element_type3A_57, %cond3A_58 : i32
    scf.if %cond3A_59 {
      "tpu.region"() ({
        %run_scoped3A_62 = tpu.sem_alloc : memref<!tpu.dma_semaphore, #tpu.memory_space<semaphore_mem>>
        %dma_start3A_63 = arith.constant 0 : i32
        %dma_start3A_64 = arith.constant 0 : i32
        %dma_start3A_65 = tpu.memref_slice %arg8[%dma_start3A_63, %dma_start3A_64] : memref<400x64xf32, #tpu.memory_space<vmem>> -> memref<232x64xf32, #tpu.memory_space<vmem>>
        %dma_start3A_66 = arith.constant 0 : i32
        %dma_start3A_67 = tpu.memref_slice %arg5[%add3A_49, %dma_start3A_66] : memref<10112x64xf32, #tpu.memory_space<hbm>> -> memref<232x64xf32, #tpu.memory_space<hbm>>
        %dma_start3A_68 = arith.constant 0 : i32
        %dma_start3A_69 = tpu.memref_slice %arg5[%add3A_49, %dma_start3A_68] : memref<10112x64xf32, #tpu.memory_space<hbm>> -> memref<232x64xf32, #tpu.memory_space<hbm>>
        %dma_start3A_70 = arith.constant 0 : i32
        %dma_start3A_71 = arith.constant 0 : i32
        %dma_start3A_72 = tpu.memref_slice %arg8[%dma_start3A_70, %dma_start3A_71] : memref<400x64xf32, #tpu.memory_space<vmem>> -> memref<232x64xf32, #tpu.memory_space<vmem>>
        tpu.enqueue_dma source(%dma_start3A_72 : memref<232x64xf32, #tpu.memory_space<vmem>>) target(%dma_start3A_69 : memref<232x64xf32, #tpu.memory_space<hbm>>) target_semaphore(%run_scoped3A_62 : memref<!tpu.dma_semaphore, #tpu.memory_space<semaphore_mem>>)
        %dma_wait3A_73 = arith.constant 0 : i32
        %dma_wait3A_74 = arith.constant 0 : i32
        %dma_wait3A_75 = tpu.memref_slice %arg8[%dma_wait3A_73, %dma_wait3A_74] : memref<400x64xf32, #tpu.memory_space<vmem>> -> memref<232x64xf32, #tpu.memory_space<vmem>>
        %dma_wait3A_76 = arith.constant 0 : i32
        %dma_wait3A_77 = tpu.memref_slice %arg5[%add3A_49, %dma_wait3A_76] : memref<10112x64xf32, #tpu.memory_space<hbm>> -> memref<232x64xf32, #tpu.memory_space<hbm>>
        %dma_wait3A_78 = arith.constant 0 : i32
        %dma_wait3A_79 = tpu.memref_slice %arg5[%add3A_49, %dma_wait3A_78] : memref<10112x64xf32, #tpu.memory_space<hbm>> -> memref<232x64xf32, #tpu.memory_space<hbm>>
        %dma_wait3A_80 = arith.constant 0 : i32
        %dma_wait3A_81 = arith.constant 0 : i32
        %dma_wait3A_82 = tpu.memref_slice %arg8[%dma_wait3A_80, %dma_wait3A_81] : memref<400x64xf32, #tpu.memory_space<vmem>> -> memref<232x64xf32, #tpu.memory_space<vmem>>
        tpu.wait_dma2 semaphore(%run_scoped3A_62 : memref<!tpu.dma_semaphore, #tpu.memory_space<semaphore_mem>>) src(%dma_wait3A_82 : memref<232x64xf32, #tpu.memory_space<vmem>>) dst(%dma_wait3A_79 : memref<232x64xf32, #tpu.memory_space<hbm>>)
        tpu.yield
      }) : () -> ()
    } else {
    }
    %add3A_60 = arith.constant 232 : i32
    %add3A_61 = arith.addi %add3A_49, %add3A_60 : i32
    return
  }
}

module attributes {stable_mosaic.version = 14 : i64} {
  func.func @body(%arg0: i32, %arg1: memref<2000x128xf32, #tpu.memory_space<vmem>>, %arg2: memref<128x64xf32, #tpu.memory_space<vmem>>, %arg3: memref<2000x2xf32, #tpu.memory_space<vmem>>, %arg4: memref<2000x64xf32, #tpu.memory_space<vmem>>, %arg5: memref<2000x1xf32, #tpu.memory_space<vmem>>) attributes {dimension_semantics = [#tpu.dimension_semantics<arbitrary>], iteration_bounds = array<i64: 5>, scalar_prefetch = 0 : i64, scratch_operands = 0 : i64, tpu.core_type = #tpu.core_type<tc>, window_params = [{transform_indices = @transform_0, window_bounds = array<i64: 2000, 128>}, {pipeline_mode = #tpu.pipeline_mode<synchronous>, transform_indices = @transform_1, window_bounds = array<i64: 128, 64>}, {transform_indices = @transform_2, window_bounds = array<i64: 2000, 2>}, {transform_indices = @transform_3, window_bounds = array<i64: 2000, 64>}, {transform_indices = @transform_4, window_bounds = array<i64: 2000, 1>}]} {
    %get3A = arith.constant 0 : index
    %get3A_0 = arith.constant 0 : index
    %get3A_1 = vector.load %arg3[%get3A, %get3A_0] : memref<2000x2xf32, #tpu.memory_space<vmem>>, vector<2000x2xf32>
    %slice3A = vector.extract_strided_slice %get3A_1 {offsets = [0, 0], sizes = [2000, 1], strides = [1, 1]} : vector<2000x2xf32> to vector<2000x1xf32>
    %slice3A_2 = vector.extract_strided_slice %get3A_1 {offsets = [0, 1], sizes = [2000, 1], strides = [1, 1]} : vector<2000x2xf32> to vector<2000x1xf32>
    %add3A = arith.addf %slice3A, %slice3A_2 : vector<2000x1xf32>
    %add3A_3 = arith.constant 1.000000e+00 : f32
    %add3A_4 = vector.broadcast %add3A_3 : f32 to vector<2000x1xf32>
    %add3A_5 = arith.addf %add3A, %add3A_4 : vector<2000x1xf32>
    %rsqrt3A = math.rsqrt %add3A_5 : vector<2000x1xf32>
    %get3A_6 = arith.constant 0 : index
    %get3A_7 = arith.constant 0 : index
    %get3A_8 = vector.load %arg1[%get3A_6, %get3A_7] : memref<2000x128xf32, #tpu.memory_space<vmem>>, vector<2000x128xf32>
    %get3A_9 = arith.constant 0 : index
    %get3A_10 = arith.constant 0 : index
    %get3A_11 = vector.load %arg2[%get3A_9, %get3A_10] : memref<128x64xf32, #tpu.memory_space<vmem>>, vector<128x64xf32>
    %dot_general3A = arith.constant dense<0.000000e+00> : vector<2000x64xf32>
    %dot_general3A_12 = tpu.matmul %get3A_8, %get3A_11, %dot_general3A {dimension_numbers = #tpu.dot_dimension_numbers<[1], [0], [0], [1], [0, 0, 1, 1], [], []>, transpose_lhs_hint = false} : vector<2000x128xf32>, vector<128x64xf32>, vector<2000x64xf32> -> vector<2000x64xf32>
    %mul3A = vector.broadcast %rsqrt3A : vector<2000x1xf32> to vector<2000x64xf32>
    %mul3A_13 = arith.mulf %dot_general3A_12, %mul3A : vector<2000x64xf32>
    %swap3A = arith.constant 0 : index
    %swap3A_14 = arith.constant 0 : index
    %swap3A_15 = vector.load %arg4[%swap3A, %swap3A_14] : memref<2000x64xf32, #tpu.memory_space<vmem>>, vector<2000x64xf32>
    tpu.vector_store %arg4[%swap3A, %swap3A_14], %mul3A_13 {strides = array<i32>} : memref<2000x64xf32, #tpu.memory_space<vmem>>, vector<2000x64xf32>,
    %swap3A_16 = arith.constant 0 : index
    %swap3A_17 = arith.constant 0 : index
    %swap3A_18 = vector.load %arg5[%swap3A_16, %swap3A_17] : memref<2000x1xf32, #tpu.memory_space<vmem>>, vector<2000x1xf32>
    tpu.vector_store %arg5[%swap3A_16, %swap3A_17], %rsqrt3A {strides = array<i32>} : memref<2000x1xf32, #tpu.memory_space<vmem>>, vector<2000x1xf32>,
    return
  }
  func.func @transform_0(%arg0: i32) -> (i32, i32) {
    %c0_i32 = arith.constant 0 : i32
    %c0_i32_0 = arith.constant 0 : i32
    return %arg0, %c0_i32 : i32, i32
  }
  func.func @transform_1(%arg0: i32) -> (i32, i32) {
    %c0_i32 = arith.constant 0 : i32
    %c0_i32_0 = arith.constant 0 : i32
    %c0_i32_1 = arith.constant 0 : i32
    return %c0_i32, %c0_i32_0 : i32, i32
  }
  func.func @transform_2(%arg0: i32) -> (i32, i32) {
    %c0_i32 = arith.constant 0 : i32
    %c0_i32_0 = arith.constant 0 : i32
    return %arg0, %c0_i32 : i32, i32
  }
  func.func @transform_3(%arg0: i32) -> (i32, i32) {
    %c0_i32 = arith.constant 0 : i32
    %c0_i32_0 = arith.constant 0 : i32
    return %arg0, %c0_i32 : i32, i32
  }
  func.func @transform_4(%arg0: i32) -> (i32, i32) {
    %c0_i32 = arith.constant 0 : i32
    %c0_i32_0 = arith.constant 0 : i32
    return %arg0, %c0_i32 : i32, i32
  }
}

module attributes {stable_mosaic.version = 14 : i64} {
  func.func @body(%arg0: i32, %arg1: memref<2000x64xf32, #tpu.memory_space<vmem>>, %arg2: memref<2000x64xf32, #tpu.memory_space<vmem>>, %arg3: memref<2000x64xf32, #tpu.memory_space<vmem>>, %arg4: memref<2000x1xf32, #tpu.memory_space<vmem>>, %arg5: memref<1x64xf32, #tpu.memory_space<vmem>>, %arg6: memref<64x64xf32, #tpu.memory_space<vmem>>, %arg7: memref<2000x64xf32, #tpu.memory_space<vmem>>) attributes {dimension_semantics = [#tpu.dimension_semantics<arbitrary>], iteration_bounds = array<i64: 5>, scalar_prefetch = 0 : i64, scratch_operands = 0 : i64, tpu.core_type = #tpu.core_type<tc>, window_params = [{transform_indices = @transform_0, window_bounds = array<i64: 2000, 64>}, {transform_indices = @transform_1, window_bounds = array<i64: 2000, 64>}, {transform_indices = @transform_2, window_bounds = array<i64: 2000, 64>}, {transform_indices = @transform_3, window_bounds = array<i64: 2000, 1>}, {pipeline_mode = #tpu.pipeline_mode<synchronous>, transform_indices = @transform_4, window_bounds = array<i64: 1, 64>}, {pipeline_mode = #tpu.pipeline_mode<synchronous>, transform_indices = @transform_5, window_bounds = array<i64: 64, 64>}, {transform_indices = @transform_6, window_bounds = array<i64: 2000, 64>}]} {
    %get3A = arith.constant 0 : index
    %get3A_0 = arith.constant 0 : index
    %get3A_1 = vector.load %arg4[%get3A, %get3A_0] : memref<2000x1xf32, #tpu.memory_space<vmem>>, vector<2000x1xf32>
    %get3A_2 = arith.constant 0 : index
    %get3A_3 = arith.constant 0 : index
    %get3A_4 = vector.load %arg1[%get3A_2, %get3A_3] : memref<2000x64xf32, #tpu.memory_space<vmem>>, vector<2000x64xf32>
    %get3A_5 = arith.constant 0 : index
    %get3A_6 = arith.constant 0 : index
    %get3A_7 = vector.load %arg2[%get3A_5, %get3A_6] : memref<2000x64xf32, #tpu.memory_space<vmem>>, vector<2000x64xf32>
    %add3A = arith.addf %get3A_4, %get3A_7 : vector<2000x64xf32>
    %get3A_8 = arith.constant 0 : index
    %get3A_9 = arith.constant 0 : index
    %get3A_10 = vector.load %arg3[%get3A_8, %get3A_9] : memref<2000x64xf32, #tpu.memory_space<vmem>>, vector<2000x64xf32>
    %add3A_11 = arith.addf %add3A, %get3A_10 : vector<2000x64xf32>
    %mul3A = vector.broadcast %get3A_1 : vector<2000x1xf32> to vector<2000x64xf32>
    %mul3A_12 = arith.mulf %mul3A, %add3A_11 : vector<2000x64xf32>
    %get3A_13 = arith.constant 0 : index
    %get3A_14 = arith.constant 0 : index
    %get3A_15 = vector.load %arg5[%get3A_13, %get3A_14] : memref<1x64xf32, #tpu.memory_space<vmem>>, vector<1x64xf32>
    %add3A_16 = vector.broadcast %get3A_15 : vector<1x64xf32> to vector<2000x64xf32>
    %add3A_17 = arith.addf %mul3A_12, %add3A_16 : vector<2000x64xf32>
    %max3A = arith.constant 0.000000e+00 : f32
    %max3A_18 = vector.broadcast %max3A : f32 to vector<2000x64xf32>
    %max3A_19 = arith.maximumf %add3A_17, %max3A_18 : vector<2000x64xf32>
    %get3A_20 = arith.constant 0 : index
    %get3A_21 = arith.constant 0 : index
    %get3A_22 = vector.load %arg6[%get3A_20, %get3A_21] : memref<64x64xf32, #tpu.memory_space<vmem>>, vector<64x64xf32>
    %dot_general3A = arith.constant dense<0.000000e+00> : vector<2000x64xf32>
    %dot_general3A_23 = tpu.matmul %max3A_19, %get3A_22, %dot_general3A {dimension_numbers = #tpu.dot_dimension_numbers<[1], [0], [0], [1], [0, 0, 1, 1], [], []>, transpose_lhs_hint = false} : vector<2000x64xf32>, vector<64x64xf32>, vector<2000x64xf32> -> vector<2000x64xf32>
    %mul3A_24 = vector.broadcast %get3A_1 : vector<2000x1xf32> to vector<2000x64xf32>
    %mul3A_25 = arith.mulf %mul3A_24, %dot_general3A_23 : vector<2000x64xf32>
    %swap3A = arith.constant 0 : index
    %swap3A_26 = arith.constant 0 : index
    %swap3A_27 = vector.load %arg7[%swap3A, %swap3A_26] : memref<2000x64xf32, #tpu.memory_space<vmem>>, vector<2000x64xf32>
    tpu.vector_store %arg7[%swap3A, %swap3A_26], %mul3A_25 {strides = array<i32>} : memref<2000x64xf32, #tpu.memory_space<vmem>>, vector<2000x64xf32>,
    return
  }
  func.func @transform_0(%arg0: i32) -> (i32, i32) {
    %c0_i32 = arith.constant 0 : i32
    %c0_i32_0 = arith.constant 0 : i32
    return %arg0, %c0_i32 : i32, i32
  }
  func.func @transform_1(%arg0: i32) -> (i32, i32) {
    %c0_i32 = arith.constant 0 : i32
    %c0_i32_0 = arith.constant 0 : i32
    return %arg0, %c0_i32 : i32, i32
  }
  func.func @transform_2(%arg0: i32) -> (i32, i32) {
    %c0_i32 = arith.constant 0 : i32
    %c0_i32_0 = arith.constant 0 : i32
    return %arg0, %c0_i32 : i32, i32
  }
  func.func @transform_3(%arg0: i32) -> (i32, i32) {
    %c0_i32 = arith.constant 0 : i32
    %c0_i32_0 = arith.constant 0 : i32
    return %arg0, %c0_i32 : i32, i32
  }
  func.func @transform_4(%arg0: i32) -> (i32, i32) {
    %c0_i32 = arith.constant 0 : i32
    %c0_i32_0 = arith.constant 0 : i32
    %c0_i32_1 = arith.constant 0 : i32
    return %c0_i32, %c0_i32_0 : i32, i32
  }
  func.func @transform_5(%arg0: i32) -> (i32, i32) {
    %c0_i32 = arith.constant 0 : i32
    %c0_i32_0 = arith.constant 0 : i32
    %c0_i32_1 = arith.constant 0 : i32
    return %c0_i32, %c0_i32_0 : i32, i32
  }
  func.func @transform_6(%arg0: i32) -> (i32, i32) {
    %c0_i32 = arith.constant 0 : i32
    %c0_i32_0 = arith.constant 0 : i32
    return %arg0, %c0_i32 : i32, i32
  }
}

module attributes {stable_mosaic.version = 14 : i64} {
  func.func @body(%arg0: i32, %arg1: memref<10000x64xf32, #tpu.memory_space<vmem>>, %arg2: memref<10000x64xf32, #tpu.memory_space<vmem>>, %arg3: memref<10000x64xf32, #tpu.memory_space<vmem>>, %arg4: memref<10000x1xf32, #tpu.memory_space<vmem>>, %arg5: memref<1x64xf32, #tpu.memory_space<vmem>>, %arg6: memref<64x32xf32, #tpu.memory_space<vmem>>, %arg7: memref<1x32xf32, #tpu.memory_space<vmem>>, %arg8: memref<32x2xf32, #tpu.memory_space<vmem>>, %arg9: memref<1x2xf32, #tpu.memory_space<vmem>>, %arg10: memref<10000x2xf32, #tpu.memory_space<vmem>>) attributes {dimension_semantics = [#tpu.dimension_semantics<arbitrary>], iteration_bounds = array<i64: 1>, scalar_prefetch = 0 : i64, scratch_operands = 0 : i64, tpu.core_type = #tpu.core_type<tc>, window_params = [{transform_indices = @transform_0, window_bounds = array<i64: 10000, 64>}, {transform_indices = @transform_1, window_bounds = array<i64: 10000, 64>}, {pipeline_mode = #tpu.pipeline_mode<synchronous>, transform_indices = @transform_2, window_bounds = array<i64: 10000, 64>}, {pipeline_mode = #tpu.pipeline_mode<synchronous>, transform_indices = @transform_3, window_bounds = array<i64: 10000, 1>}, {pipeline_mode = #tpu.pipeline_mode<synchronous>, transform_indices = @transform_4, window_bounds = array<i64: 1, 64>}, {pipeline_mode = #tpu.pipeline_mode<synchronous>, transform_indices = @transform_5, window_bounds = array<i64: 64, 32>}, {pipeline_mode = #tpu.pipeline_mode<synchronous>, transform_indices = @transform_6, window_bounds = array<i64: 1, 32>}, {pipeline_mode = #tpu.pipeline_mode<synchronous>, transform_indices = @transform_7, window_bounds = array<i64: 32, 2>}, {pipeline_mode = #tpu.pipeline_mode<synchronous>, transform_indices = @transform_8, window_bounds = array<i64: 1, 2>}, {pipeline_mode = #tpu.pipeline_mode<synchronous>, transform_indices = @transform_9, window_bounds = array<i64: 10000, 2>}]} {
    %get3A = arith.constant 0 : index
    %get3A_0 = arith.constant 0 : index
    %get3A_1 = vector.load %arg4[%get3A, %get3A_0] : memref<10000x1xf32, #tpu.memory_space<vmem>>, vector<10000x1xf32>
    %get3A_2 = arith.constant 0 : index
    %get3A_3 = arith.constant 0 : index
    %get3A_4 = vector.load %arg1[%get3A_2, %get3A_3] : memref<10000x64xf32, #tpu.memory_space<vmem>>, vector<10000x64xf32>
    %get3A_5 = arith.constant 0 : index
    %get3A_6 = arith.constant 0 : index
    %get3A_7 = vector.load %arg2[%get3A_5, %get3A_6] : memref<10000x64xf32, #tpu.memory_space<vmem>>, vector<10000x64xf32>
    %add3A = arith.addf %get3A_4, %get3A_7 : vector<10000x64xf32>
    %get3A_8 = arith.constant 0 : index
    %get3A_9 = arith.constant 0 : index
    %get3A_10 = vector.load %arg3[%get3A_8, %get3A_9] : memref<10000x64xf32, #tpu.memory_space<vmem>>, vector<10000x64xf32>
    %add3A_11 = arith.addf %add3A, %get3A_10 : vector<10000x64xf32>
    %mul3A = vector.broadcast %get3A_1 : vector<10000x1xf32> to vector<10000x64xf32>
    %mul3A_12 = arith.mulf %mul3A, %add3A_11 : vector<10000x64xf32>
    %get3A_13 = arith.constant 0 : index
    %get3A_14 = arith.constant 0 : index
    %get3A_15 = vector.load %arg5[%get3A_13, %get3A_14] : memref<1x64xf32, #tpu.memory_space<vmem>>, vector<1x64xf32>
    %add3A_16 = vector.broadcast %get3A_15 : vector<1x64xf32> to vector<10000x64xf32>
    %add3A_17 = arith.addf %mul3A_12, %add3A_16 : vector<10000x64xf32>
    %get3A_18 = arith.constant 0 : index
    %get3A_19 = arith.constant 0 : index
    %get3A_20 = vector.load %arg6[%get3A_18, %get3A_19] : memref<64x32xf32, #tpu.memory_space<vmem>>, vector<64x32xf32>
    %dot_general3A = arith.constant dense<0.000000e+00> : vector<10000x32xf32>
    %dot_general3A_21 = tpu.matmul %add3A_17, %get3A_20, %dot_general3A {dimension_numbers = #tpu.dot_dimension_numbers<[1], [0], [0], [1], [0, 0, 1, 1], [], []>, transpose_lhs_hint = false} : vector<10000x64xf32>, vector<64x32xf32>, vector<10000x32xf32> -> vector<10000x32xf32>
    %get3A_22 = arith.constant 0 : index
    %get3A_23 = arith.constant 0 : index
    %get3A_24 = vector.load %arg7[%get3A_22, %get3A_23] : memref<1x32xf32, #tpu.memory_space<vmem>>, vector<1x32xf32>
    %add3A_25 = vector.broadcast %get3A_24 : vector<1x32xf32> to vector<10000x32xf32>
    %add3A_26 = arith.addf %dot_general3A_21, %add3A_25 : vector<10000x32xf32>
    %get3A_27 = arith.constant 0 : index
    %get3A_28 = arith.constant 0 : index
    %get3A_29 = vector.load %arg8[%get3A_27, %get3A_28] : memref<32x2xf32, #tpu.memory_space<vmem>>, vector<32x2xf32>
    %dot_general3A_30 = arith.constant dense<0.000000e+00> : vector<10000x2xf32>
    %dot_general3A_31 = tpu.matmul %add3A_26, %get3A_29, %dot_general3A_30 {dimension_numbers = #tpu.dot_dimension_numbers<[1], [0], [0], [1], [0, 0, 1, 1], [], []>, transpose_lhs_hint = false} : vector<10000x32xf32>, vector<32x2xf32>, vector<10000x2xf32> -> vector<10000x2xf32>
    %get3A_32 = arith.constant 0 : index
    %get3A_33 = arith.constant 0 : index
    %get3A_34 = vector.load %arg9[%get3A_32, %get3A_33] : memref<1x2xf32, #tpu.memory_space<vmem>>, vector<1x2xf32>
    %add3A_35 = vector.broadcast %get3A_34 : vector<1x2xf32> to vector<10000x2xf32>
    %add3A_36 = arith.addf %dot_general3A_31, %add3A_35 : vector<10000x2xf32>
    %reduce_max3A = arith.constant dense<0xFF800000> : vector<2xf32>
    %reduce_max3A_37 = vector.multi_reduction <maximumf>, %add3A_36, %reduce_max3A [0] : vector<10000x2xf32> to vector<2xf32>
    %broadcast_in_dim3A = vector.shape_cast %reduce_max3A_37 : vector<2xf32> to vector<1x2xf32>
    %sub3A = vector.broadcast %broadcast_in_dim3A : vector<1x2xf32> to vector<10000x2xf32>
    %sub3A_38 = arith.subf %add3A_36, %sub3A : vector<10000x2xf32>
    %exp3A = math.exp %sub3A_38 : vector<10000x2xf32>
    %reduce_sum3A = arith.constant dense<0.000000e+00> : vector<2xf32>
    %reduce_sum3A_39 = vector.multi_reduction <add>, %exp3A, %reduce_sum3A [0] : vector<10000x2xf32> to vector<2xf32>
    %broadcast_in_dim3A_40 = vector.shape_cast %reduce_sum3A_39 : vector<2xf32> to vector<1x2xf32>
    %div3A = vector.broadcast %broadcast_in_dim3A_40 : vector<1x2xf32> to vector<10000x2xf32>
    %div3A_41 = arith.divf %exp3A, %div3A : vector<10000x2xf32>
    %swap3A = arith.constant 0 : index
    %swap3A_42 = arith.constant 0 : index
    %swap3A_43 = vector.load %arg10[%swap3A, %swap3A_42] : memref<10000x2xf32, #tpu.memory_space<vmem>>, vector<10000x2xf32>
    tpu.vector_store %arg10[%swap3A, %swap3A_42], %div3A_41 {strides = array<i32>} : memref<10000x2xf32, #tpu.memory_space<vmem>>, vector<10000x2xf32>,
    return
  }
  func.func @transform_0(%arg0: i32) -> (i32, i32) {
    %c0_i32 = arith.constant 0 : i32
    %c0_i32_0 = arith.constant 0 : i32
    %c0_i32_1 = arith.constant 0 : i32
    return %c0_i32, %c0_i32_0 : i32, i32
  }
  func.func @transform_1(%arg0: i32) -> (i32, i32) {
    %c0_i32 = arith.constant 0 : i32
    %c0_i32_0 = arith.constant 0 : i32
    %c0_i32_1 = arith.constant 0 : i32
    return %c0_i32, %c0_i32_0 : i32, i32
  }
  func.func @transform_2(%arg0: i32) -> (i32, i32) {
    %c0_i32 = arith.constant 0 : i32
    %c0_i32_0 = arith.constant 0 : i32
    %c0_i32_1 = arith.constant 0 : i32
    return %c0_i32, %c0_i32_0 : i32, i32
  }
  func.func @transform_3(%arg0: i32) -> (i32, i32) {
    %c0_i32 = arith.constant 0 : i32
    %c0_i32_0 = arith.constant 0 : i32
    %c0_i32_1 = arith.constant 0 : i32
    return %c0_i32, %c0_i32_0 : i32, i32
  }
  func.func @transform_4(%arg0: i32) -> (i32, i32) {
    %c0_i32 = arith.constant 0 : i32
    %c0_i32_0 = arith.constant 0 : i32
    %c0_i32_1 = arith.constant 0 : i32
    return %c0_i32, %c0_i32_0 : i32, i32
  }
  func.func @transform_5(%arg0: i32) -> (i32, i32) {
    %c0_i32 = arith.constant 0 : i32
    %c0_i32_0 = arith.constant 0 : i32
    %c0_i32_1 = arith.constant 0 : i32
    return %c0_i32, %c0_i32_0 : i32, i32
  }
  func.func @transform_6(%arg0: i32) -> (i32, i32) {
    %c0_i32 = arith.constant 0 : i32
    %c0_i32_0 = arith.constant 0 : i32
    %c0_i32_1 = arith.constant 0 : i32
    return %c0_i32, %c0_i32_0 : i32, i32
  }
  func.func @transform_7(%arg0: i32) -> (i32, i32) {
    %c0_i32 = arith.constant 0 : i32
    %c0_i32_0 = arith.constant 0 : i32
    %c0_i32_1 = arith.constant 0 : i32
    return %c0_i32, %c0_i32_0 : i32, i32
  }
  func.func @transform_8(%arg0: i32) -> (i32, i32) {
    %c0_i32 = arith.constant 0 : i32
    %c0_i32_0 = arith.constant 0 : i32
    %c0_i32_1 = arith.constant 0 : i32
    return %c0_i32, %c0_i32_0 : i32, i32
  }
  func.func @transform_9(%arg0: i32) -> (i32, i32) {
    %c0_i32 = arith.constant 0 : i32
    %c0_i32_0 = arith.constant 0 : i32
    %c0_i32_1 = arith.constant 0 : i32
    return %c0_i32, %c0_i32_0 : i32, i32
  }
}

</mosaic_0001>

<sc_bundles>
// kernel: kernel.11.cloned.1.call-start
scs
__scs_entry_jumppad:
0x0: {  	(pc) =	sbr.rel $0x88, $3  }
0x1: {  	(tag) =	ssettag $0x0;
	lr =	simm.s32 $0x1  }
0x2: {  	[smem:$0x3F97] =	sst lr;
	_ =	strace $0xD0000000  }
0x3: {  	_ = 	snop  }
0x4: {  	_ = 	snop  }
0x5: {  	_ = 	snop  }
0x6: {  	_ = 	snop  }
0x7: {  	_ = 	snop  }
__scs_overlays_trampoline_lowered:
0x8: {  	[smem:$0x3FA6] =	sst s0  }
0x9: {  	[smem:$0x3FA7] =	sst s1  }
0xa: {  	[smem:$0x3FA8] =	sst s2  }
0xb: {  	[smem:$0x3FA9] =	sst s3  }
0xc: {  	[smem:$0x3FAA] =	sst s4  }
0xd: {  	[smem:$0x3FAB] =	sst s5  }
0xe: {  	[smem:$0x3FAC] =	sst s6  }
0xf: {  	[smem:$0x3FAD] =	sst s7  }
0x10: {  	[smem:$0x3FAE] =	sst s8  }
0x11: {  	[smem:$0x3FAF] =	sst s9;
	s0 =	simm.s32 @!p0 $0x0  }
0x12: {  	s1 =	sld [smem:$0x3F95];
	s0 =	simm.s32 @p0 $0x1  }
0x13: {  	[smem:$0x3FB0] =	sst s0;
	s0 =	simm.s32 @!p1 $0x0  }
0x14: {  	s2 =	sld [smem:$0x3F94];
	s0 =	simm.s32 @p1 $0x1  }
0x15: {  	[smem:$0x3FB1] =	sst s0;
	s0 =	simm.s32 @!p2 $0x0  }
0x16: {  	s3 =	sld [smem:$0x3FDB];
	s0 =	simm.s32 @p2 $0x1  }
0x17: {  	s4 =	simm.s32 $0x1BF5;
	[smem:$0x3FB3] =	sst s0  }
0x18: {  	s0 =	sld [smem:$0x3F96];
	_ =	swait.ge [sflag:s4], $0x0  }
0x19: {  	s7 =	sld [smem:$0x3F97]  }
0x1a: {  	s8 =	sadd.s32 $0xFFFFE003, lr  }
0x1b: {  	s9 =	sadd.s32 $0xFFFFFEF7, lr;
	s5 =	simm.s32 $0xFFFFFFFF;
	p2 =	slt.u32 s8, $0xFFFFF086  }
0x1c: {  	p1 =	slt.u32 s9, $0xF7A;
	s5 =	simm.s32 @!p2 $0x0  }
0x1d: {  	s5 =	simm.s32 @p1 $0x1;
	p0 =	seq.s32 s7, s2  }
0x1e: {  	s7 =	smul.u32 @!p0 $0xF7A, s2;
	p2 =	seq.s32 @!p0 s5, $0x0  }
0x1f: {  	s9 =	smul.u32 $0xF7A, s1;
	s8 =	simm.s32 @!p0 $0x1BF5;
	p2 =	por !p2, p0  }
0x20: {  	[sflag:s8] =	ssyncset.s32 @!p0 $0xFFFFF086;
	s6 =	sadd.s32 @!p0 s3, s7;
	s7 =	simm.s32 @!p0 $0x108  }
0x21: {  	s3 =	sadd.s32 s3, s9;
	s6 =	sadd.s32 @!p0 $0x88, s6;
	s7 =	simm.s32 @p2 $0x1082  }
0x22: {  	[simem:s7], [sflag:s8] =	dma.local @!p0 [hbm:s6], $0xF7A  }
0x23: {  	s9 =	sor.u32 $0xD0000000, s2;
	s6 =	simm.s32 $0x108;
	_ =	swait.ge @!p0 [sflag:s8], $0x0  }
0x24: {  	s3 =	sadd.s32 $0x88, s3;
	s6 =	simm.s32 @!p1 $0x1082;
	[sflag:s4] =	ssyncset.s32 $0xFFFFF086  }
0x25: {  	[simem:s6], [sflag:s4] =	dma.local [hbm:s3], $0xF7A  }
0x26: {  	[smem:$0x3F97] =	sst s1;
	(tag) =	ssettag s2;
	_ =	strace s9  }
0x27: {  	s1 =	sld [smem:$0x3FA7]  }
0x28: {  	s2 =	sld [smem:$0x3FA8]  }
0x29: {  	s4 =	sld [smem:$0x3FAA]  }
0x2a: {  	p0 =	seq.s32 s5, $0x0;
	s5 =	sld [smem:$0x3FAB]  }
0x2b: {  	s6 =	sld [smem:$0x3FAC]  }
0x2c: {  	s7 =	sld [smem:$0x3FAD]  }
0x2d: {  	s3 =	simm.s32 $0x108;
	s8 =	sld [smem:$0x3FAE]  }
0x2e: {  	s3 =	simm.s32 @!p0 $0x1082;
	s9 =	sld [smem:$0x3FAF]  }
0x2f: {  	lr =	sadd.s32 s0, s3;
	s0 =	sld [smem:$0x3FA6]  }
0x30: {  	s3 =	sld [smem:$0x3FA9]  }
0x31: {  	[smem:$0x3FB2] =	sst s10  }
0x32: {  	s10 =	sld [smem:$0x3FB0];
	_ =	sdelay $0x3  }
0x33: {  	p0 =	seq.s32 s10, $0x1;
	s10 =	sld [smem:$0x3FB2];
	_ =	sdelay $0x3  }
0x34: {  	[smem:$0x3FB2] =	sst s10  }
0x35: {  	s10 =	sld [smem:$0x3FB1];
	_ =	sdelay $0x3  }
0x36: {  	p1 =	seq.s32 s10, $0x1;
	s10 =	sld [smem:$0x3FB2];
	_ =	sdelay $0x3  }
0x37: {  	[smem:$0x3FB2] =	sst s10  }
0x38: {  	s10 =	sld [smem:$0x3FB3]  }
0x39: {  	_ = 	snop;
	(pc) =	sbr.ind lr, $3  }
0x3a: {  	_ = 	snop  }
0x3b: {  	_ = 	snop  }
0x3c: {  	p2 =	seq.s32 s10, $0x1;
	s10 =	sld [smem:$0x3FB2]  }
0x3d: {  	_ =	shalt  }
0x3e: {  	_ =	shalt  }
0x3f: {  	_ =	shalt  }
0x40: {  	_ =	shalt  }
0x41: {  	_ =	shalt  }
0x42: {  	_ =	shalt  }
0x43: {  	_ =	shalt  }
0x44: {  	_ =	shalt  }
0x45: {  	_ =	shalt  }
0x46: {  	_ =	shalt  }
0x47: {  	_ =	shalt  }
0x48: {  	_ =	shalt  }
0x49: {  	_ =	shalt  }
0x4a: {  	_ =	shalt  }
0x4b: {  	_ =	shalt  }
0x4c: {  	_ =	shalt  }
0x4d: {  	_ =	shalt  }
0x4e: {  	_ =	shalt  }
0x4f: {  	_ =	shalt  }
0x50: {  	_ =	shalt  }
0x51: {  	_ =	shalt  }
0x52: {  	_ =	shalt  }
0x53: {  	_ =	shalt  }
0x54: {  	_ =	shalt  }
0x55: {  	_ =	shalt  }
0x56: {  	_ =	shalt  }
0x57: {  	_ =	shalt  }
0x58: {  	_ =	shalt  }
0x59: {  	_ =	shalt  }
0x5a: {  	_ =	shalt  }
0x5b: {  	_ =	shalt  }
0x5c: {  	_ =	shalt  }
0x5d: {  	_ =	shalt  }
0x5e: {  	_ =	shalt  }
0x5f: {  	_ =	shalt  }
0x60: {  	_ =	shalt  }
0x61: {  	_ =	shalt  }
0x62: {  	_ =	shalt  }
0x63: {  	_ =	shalt  }
0x64: {  	_ =	shalt  }
0x65: {  	_ =	shalt  }
0x66: {  	_ =	shalt  }
0x67: {  	_ =	shalt  }
0x68: {  	_ =	shalt  }
0x69: {  	_ =	shalt  }
0x6a: {  	_ =	shalt  }
0x6b: {  	_ =	shalt  }
0x6c: {  	_ =	shalt  }
0x6d: {  	_ =	shalt  }
0x6e: {  	_ =	shalt  }
0x6f: {  	_ =	shalt  }
0x70: {  	_ =	shalt  }
0x71: {  	_ =	shalt  }
0x72: {  	_ =	shalt  }
0x73: {  	_ =	shalt  }
0x74: {  	_ =	shalt  }
0x75: {  	_ =	shalt  }
0x76: {  	_ =	shalt  }
0x77: {  	_ =	shalt  }
0x78: {  	_ =	shalt  }
0x79: {  	_ =	shalt  }
0x7a: {  	_ =	shalt  }
0x7b: {  	_ =	shalt  }
0x7c: {  	_ =	shalt  }
0x7d: {  	_ =	shalt  }
0x7e: {  	_ =	shalt  }
0x7f: {  	_ =	shalt  }
0x80: {  	_ =	shalt  }
0x81: {  	_ =	shalt  }
0x82: {  	_ =	shalt  }
0x83: {  	_ =	shalt  }
0x84: {  	_ =	shalt  }
0x85: {  	_ =	shalt  }
0x86: {  	_ =	shalt  }
0x87: {  	_ =	shalt  }
.Lfunc_end0:
.L_simem_size_0:
called_computation.1_lowered:
.L_overlay_start_0:
0x88: {  	s2 =	sld [smem:$0x3FD9]  }
0x89: {  	s3 =	sld [smem:$0x3FFE];
	_ =	sdelay $0x1  }
0x8a: {  	s1 =	srdreg.scid  }
0x8b: {  	s0 =	sand.u32 $0x1, s1  }
0x8c: {  	s16 =	sshll.u32 s0, $0xA;
	s2 =	sadd.s32 s3, s2  }
0x8d: {  	s2 =	sadd.s32 s2, s16  }
0x8e: {  	[smem:$0x3FBE] =	sst s2  }
0x8f: {  	_ = 	snop  }
0x90: {  	(tm) =	ssettm $0x1  }
0x91: {  	s17 =	sld [smem:$0x3FFB];
	_ =	sdelay $0x3  }
0x92: {  	_ =	strace s17  }
0x93: {  	s2 =	sld [smem:$0x3FFC];
	_ =	sdelay $0x3  }
0x94: {  	_ =	strace s2  }
0x95: {  	s2 =	sld [smem:$0x3FFD];
	_ =	sdelay $0x3  }
0x96: {  	_ =	strace s2  }
0x97: {  	_ =	strace $0x8FFFFFFF  }
0x98: {  	s18 =	sld [smem:$0x3FDB];
	_ =	sdelay $0x1  }
0x99: {  	s19 =	simm.s32 $_scs_section_size  }
0x9a: {  	s4 =	simm.s32 $_size__tile_overlayer_lowered;
	s5 =	simm.s32 $_tile_overlayer_lowered  }
0x9b: {  	s22 =	simm.s32 $0x1BFF;
	s21 =	sshll.u32 s5, $0x1;
	s2 =	sadd.s32 s19, s18  }
0x9c: {  	s6 =	simm.s32 $0x0;
	s20 =	sshll.u32 s4, $0x1;
	s4 =	sadd.s32 s21, s2  }
0x9d: {  	[timem:s6], [sflag:s22] =	dma.local [hbm:s4], s20  }
0x9e: {  	_ =	swait.ge [sflag:s22], s20  }
0x9f: {  	s3 =	ssub.s32 $0x0, s20;
	[sflag:s22] =	ssyncset.done $0x0  }
0xa0: {  	[sflag:s22] =	ssyncadd.s32 s3;
	_ =	sdelay $0x1  }
0xa1: {  	s23 =	simm.s32 $0x1B8B  }
0xa2: {  	_ =	swait.ge [sflag:s23], $0x1  }
0xa3: {  	[sflag:s23] =	ssyncset.done $0x0  }
0xa4: {  	s25 =	simm.s32 $0x1B8E;
	s24 =	sld [smem:$0x3FFE];
	[sflag:s23] =	ssyncadd.s32 $0xFFFFFFFF  }
0xa5: {  	s26 =	simm.s32 $execute0_lowered;
	[smem:$0x3FD2] =	sst s25  }
0xa6: {  	s4 =	sshll.u32 s26, $0x1;
	_ =	strace $0x80000049;
	[dreg:$0x1] =	wrdreg $0xFFFFFFFF  }
0xa7: {  	s28 =	simm.s32 $_size_execute0_lowered;
	s2 =	sadd.s32 s2, s4;
	[dreg:$0x0] =	wrdreg $0x0  }
0xa8: {  	s4 =	sshll.u32 s28, $0x1;
	[dreg:$0x2] =	wrdreg s2  }
0xa9: {  	[dreg:$0x3] =	wrdreg s4  }
0xaa: {  	[dreg:$0x4] =	wrdreg $0xC0  }
0xab: {  	_ =	task [dreg:s6], $0x5FFFF  }
0xac: {  	[dreg:$0x1] =	wrdreg $0xFFFFFFFF  }
0xad: {  	[dreg:$0x0] =	wrdreg $0x60  }
0xae: {  	[dreg:$0x2] =	wrdreg s24  }
0xaf: {  	[dreg:$0x3] =	wrdreg $0x116200  }
0xb0: {  	[dreg:$0x4] =	wrdreg $0x9  }
0xb1: {  	_ =	task.clear_ibuf [dreg:s6], $0x5FFFF;
	_ =	strace $0x90000049  }
0xb2: {  	s29 =	simm.s32 $0x9;
	_ =	strace $0x8000004B  }
0xb3: {  	_ =	swait.ge [sflag:s29], $0x1  }
0xb4: {  	[sflag:s29] =	ssyncadd.s32 $0xFFFFFFFF  }
0xb5: {  	_ =	strace $0x9000004B  }
0xb6: {  	_ =	sfence  }
0xb7: {  	s30 =	sld [smem:$0x0];
	_ =	sdelay $0x2  }
0xb8: {  	s31 =	sshll.u32 s1, $0xD;
	s1 =	sshrl.u32 s1, $0x2  }
0xb9: {  	s3 =	sand.u32 $0x4000, s31;
	s1 =	sadd.s32 s1, s30  }
0xba: {  	s0 =	sor.u32 s3, s0;
	s1 =	sshll.u32 s1, $0x11  }
0xbb: {  	s0 =	sor.u32 s1, s0  }
0xbc: {  	s0 =	sadd.s32 $0x8F2B, s0  }
0xbd: {  	[sflag:s0] =	ssyncadd.remote.s32 $0x1  }
0xbe: {  	_ =	sfence.sel $0xFFFF  }
0xbf: {  	[dreg:$0x0] =	wrdreg $0xFFFFFFFF;
	(pc) =	sbr.abs _section_cstart, $3  }
0xc0: {  	[dreg:$0x1] =	wrdreg $0xFFFFFFFF  }
0xc1: {  	_ =	task.clear_ibuf [dreg:s6], $0x2FFFF;
	_ =	strace $0x9FFFFFFF  }
0xc2: {  	(tm) =	ssettm $0x7FFFFFFF  }
0xc3: {  	_ =	shalt  }
tec
execute0_lowered:
.L_overlay_start_1:
0x0: {  	(tag) =	ssettag $0x1  }
0x1: {  	s9 =	rddreg [dreg:$0x0]  }
0x2: {  	s1 =	srdreg.scid;
	s0 =	stileid.u32  }
0x3: {  	s2 =	rddreg [dreg:$0x1];
	s3 =	simm.s32 $0x0;
	s13 =	simm.s32 $0x2A600  }
0x4: {  	s14 =	simm.s32 $0x4E20;
	s15 =	simm.s32 $0x190;
	s16 =	simm.s32 $0xB220  }
0x5: {  	s17 =	simm.s32 $0x1;
	s18 =	simm.s32 $0x2;
	s19 =	simm.s32 $0x4C90  }
0x6: {  	s20 =	simm.s32 $0x0;
	s7 =	sand.u32 $0x1, s1;
	s1 =	rddreg [dreg:$0x2]  }
0x7: {  	s4 =	sshll.u32 s0, $0x1;
	[smem:$0x7FF] =	sst s3;
	s10 =	smul.u32 $0x9E00, s0  }
0x8: {  	s4 =	sor.u32 s7, s4;
	_ =	strace $0x8000004A;
	s6 =	ssub.s32 $0x2, s7  }
0x9: {  	p0 =	seq.s32 s7, $0x0;
	s5 =	smul.u32 $0x2710, s4;
	s4 =	sadd.s32 $0x16C00, s9  }
0xa: {  	s31 =	sshrl.u32 s6, $0x1;
	s12 =	sadd.s32 $0x6400, s10;
	s7 =	sadd.s32 s10, s2  }
0xb: {  	s13 =	simm.s32 @!p0 $0x3E200;
	s10 =	sshrl.u32 s10, $0x3;
	s5 =	sshrl.u32 s5, $0x3  }
0xc: {  	s11 =	ssub.s32 s6, s31;
	s13 =	sadd.s32 s13, s9;
	s8 =	sadd.s32 s5, s9  }
0xd: {  	s10 =	sadd.s32 s13, s10;
	s9 =	smax.u32 s11, $0x1;
	s5 =	sadd.s32 $0x3200, s8  }
0xe: {  	s6 =	sadd.s32 $0xCE40, s8;
	s8 =	sadd.s32 s12, s2;
	s12 =	sshrl.u32 s12, $0x3  }
0xf: {  	v0 =	vimm.f32 $0.0e+00;
	s11 =	sadd.s32 s13, s12;
	s12 =	simm.s32 $0x3;
	s13 =	simm.s32 $0x2710  }
.LBB2_1:
0x10: {  	[tilespmem:s3], [sflag:$0x3] =	stream.linear.gather [hbm4b:s5+s3], $0x2710, $0x38;
	[tilespmem:$0x1B420] =	vst v63  }
0x11: {  	_ =	swait.ge [sflag:s12], $0x2710  }
0x12: {  	[sflag:s12] =	ssyncset.done $0x0  }
0x13: {  	[sflag:s12] =	ssyncadd.s32 $0xFFFFD8F0  }
0x14: {  	[tilespmem:s13], [sflag:$0x3] =	stream.linear.gather [hbm4b:s6+s3], $0x2710, $0x38;
	[tilespmem:$0x1B420] =	vst v63  }
0x15: {  	_ =	swait.ge [sflag:s12], $0x2710  }
0x16: {  	[sflag:s12] =	ssyncset.done $0x0  }
0x17: {  	s22 =	simm.s32 $0x100;
	s21 =	simm.s32 $0x0;
	[sflag:s12] =	ssyncadd.s32 $0xFFFFD8F0  }
.LBB2_2:
0x18: {  	p0 =	sne.s32 s22, $0x18F00;
	[tilespmem:s21+$0x4E50] =	vst v0;
	s23 =	smov.u32 s22;
	s22 =	sadd.s32 $0x100, s22  }
.Ltmp0:
0x19: {  	[tilespmem:s21+$0x4E40] =	vst v0;
	(pc) =	sbr.rel @p0 .LBB2_2-.Ltmp0, $3  }
0x1a: {  	[tilespmem:s21+$0x4E20] =	vst v0  }
0x1b: {  	[tilespmem:s21+$0x4E30] =	vst v0;
	_ =	sdelay $0x1  }
0x1c: {  	s21 =	sshra.s32 s23, $0x2  }
0x1d: {  	[tilespmem:s21+$0x4E50] =	vst v0  }
0x1e: {  	[tilespmem:s21+$0x4E40] =	vst v0  }
0x1f: {  	[tilespmem:s21+$0x4E20] =	vst v0  }
0x20: {  	[tilespmem:s21+$0x4E30] =	vst v0  }
0x21: {  	[spmem:s7] =	stream.linear.scatter [tilespmem:s14], [sflag:$0x3], $0x6400, $0x38;
	[tilespmem:$0x1B420] =	vst v63  }
0x22: {  	_ =	swait.ge [sflag:s12], $0x6400  }
0x23: {  	[sflag:s12] =	ssyncset.done $0x0  }
0x24: {  	[sflag:s12] =	ssyncadd.s32 $0xFFFF9C00  }
0x25: {  	[spmem:s8] =	stream.linear.scatter [tilespmem:s14], [sflag:$0x3], $0x3A00, $0x38;
	[tilespmem:$0x1B420] =	vst v63  }
0x26: {  	_ =	swait.ge [sflag:s12], $0x3A00  }
0x27: {  	[sflag:s12] =	ssyncset.done $0x0  }
0x28: {  	[sflag:s12] =	ssyncadd.s32 $0xFFFFC600  }
0x29: {  	s26 =	simm.s32 $0x0;
	[bflag:$0x0] =	sbarrier.arrive $0xFFFF  }
0x2a: {  	[tilespmem:s14], [sflag:$0x1] =	stream.indirect.gather [hbm4b:s4+s15], $0x40, s26, s15, $0xb8;
	[tilespmem:$0x1B420] =	vst v63  }
0x2b: {  	s28 =	simm.s32 $0x190  }
0x2c: {  	[tilespmem:s16], [sflag:$0x2] =	stream.indirect.gather [hbm4b:s4+s15], $0x40, s28, s15, $0xb8;
	[tilespmem:$0x1B420] =	vst v63  }
0x2d: {  	_ =	swait.ge [sflag:s17], $0x6400  }
0x2e: {  	[sflag:s17] =	ssyncset.done $0x0  }
0x2f: {  	s29 =	simm.s32 $0x2710;
	[sflag:s17] =	ssyncadd.s32 $0xFFFF9C00  }
0x30: {  	[spmem:s2] =	stream.indirect.scatter.add.f32 [tilespmem:s14], [sflag:$0x3], $0x40, s29, s15, $0xb8;
	[tilespmem:$0x1B420] =	vst v63  }
0x31: {  	_ =	swait.ge [sflag:s12], $0x6400  }
0x32: {  	[sflag:s12] =	ssyncset.done $0x0  }
0x33: {  	s30 =	simm.s32 $0x320;
	[sflag:s12] =	ssyncadd.s32 $0xFFFF9C00  }
0x34: {  	[tilespmem:s14], [sflag:$0x1] =	stream.indirect.gather [hbm4b:s4+s15], $0x40, s30, s15, $0xb8;
	[tilespmem:$0x1B420] =	vst v63  }
0x35: {  	_ =	swait.ge [sflag:s18], $0x6400  }
0x36: {  	[sflag:s18] =	ssyncset.done $0x0  }
0x37: {  	s31 =	simm.s32 $0x28A0;
	[sflag:s18] =	ssyncadd.s32 $0xFFFF9C00  }
0x38: {  	[spmem:s2] =	stream.indirect.scatter.add.f32 [tilespmem:s16], [sflag:$0x3], $0x40, s31, s15, $0xb8;
	[tilespmem:$0x1B420] =	vst v63  }
0x39: {  	_ =	swait.ge [sflag:s12], $0x6400  }
0x3a: {  	s22 =	simm.s32 $0x1900;
	s21 =	simm.s32 $0x320;
	[sflag:s12] =	ssyncset.done $0x0  }
.LBB2_4:
0x3b: {  	s23 =	sadd.s32 $0x190, s21  }
0x3c: {  	[sflag:s12] =	ssyncadd.s32 $0xFFFF9C00;
	s24 =	smov.u32 s22;
	s25 =	sadd.s32 $0xC80, s22  }
0x3d: {  	[tilespmem:s16], [sflag:$0x2] =	stream.indirect.gather [hbm4b:s4+s15], $0x40, s23, s15, $0xb8;
	[tilespmem:$0x1B420] =	vst v63  }
0x3e: {  	p0 =	sne.s32 s22, $0x8980;
	_ =	swait.ge [sflag:s17], $0x6400  }
0x3f: {  	[sflag:s17] =	ssyncset.done $0x0  }
0x40: {  	s22 =	sadd.s32 $0x2710, s21;
	[sflag:s17] =	ssyncadd.s32 $0xFFFF9C00  }
0x41: {  	[spmem:s2] =	stream.indirect.scatter.add.f32 [tilespmem:s14], [sflag:$0x3], $0x40, s22, s15, $0xb8;
	[tilespmem:$0x1B420] =	vst v63  }
0x42: {  	_ =	swait.ge [sflag:s12], $0x6400  }
0x43: {  	[sflag:s12] =	ssyncset.done $0x0  }
0x44: {  	s22 =	sadd.s32 $0x320, s21;
	[sflag:s12] =	ssyncadd.s32 $0xFFFF9C00  }
0x45: {  	[tilespmem:s14], [sflag:$0x1] =	stream.indirect.gather [hbm4b:s4+s15], $0x40, s22, s15, $0xb8;
	[tilespmem:$0x1B420] =	vst v63  }
0x46: {  	_ =	swait.ge [sflag:s18], $0x6400  }
.Ltmp1:
0x47: {  	[sflag:s18] =	ssyncset.done $0x0;
	(pc) =	sbr.rel @p0 .LBB2_4-.Ltmp1, $4  }
0x48: {  	s21 =	sadd.s32 $0x28A0, s21;
	[sflag:s18] =	ssyncadd.s32 $0xFFFF9C00  }
0x49: {  	[spmem:s2] =	stream.indirect.scatter.add.f32 [tilespmem:s16], [sflag:$0x3], $0x40, s21, s15, $0xb8;
	[tilespmem:$0x1B420] =	vst v63  }
0x4a: {  	_ =	swait.ge [sflag:s12], $0x6400  }
0x4b: {  	s22 =	smov.u32 s25;
	s21 =	sshra.s32 s24, $0x2;
	[sflag:s12] =	ssyncset.done $0x0  }
0x4c: {  	s22 =	sadd.s32 $0x190, s21;
	[sflag:s12] =	ssyncadd.s32 $0xFFFF9C00  }
0x4d: {  	[tilespmem:s16], [sflag:$0x2] =	stream.indirect.gather [hbm4b:s4+s15], $0x40, s22, s15, $0xb8;
	[tilespmem:$0x1B420] =	vst v63  }
0x4e: {  	_ =	swait.ge [sflag:s17], $0x6400  }
0x4f: {  	[sflag:s17] =	ssyncset.done $0x0  }
0x50: {  	s29 =	sadd.s32 $0x2710, s21;
	[sflag:s17] =	ssyncadd.s32 $0xFFFF9C00  }
0x51: {  	[spmem:s2] =	stream.indirect.scatter.add.f32 [tilespmem:s14], [sflag:$0x3], $0x40, s29, s15, $0xb8;
	[tilespmem:$0x1B420] =	vst v63  }
0x52: {  	_ =	swait.ge [sflag:s12], $0x6400  }
0x53: {  	[sflag:s12] =	ssyncset.done $0x0  }
0x54: {  	s30 =	sadd.s32 $0x320, s21;
	[sflag:s12] =	ssyncadd.s32 $0xFFFF9C00  }
0x55: {  	[tilespmem:s14], [sflag:$0x1] =	stream.indirect.gather [hbm4b:s4+s15], $0x40, s30, s15, $0xb8;
	[tilespmem:$0x1B420] =	vst v63  }
0x56: {  	_ =	swait.ge [sflag:s18], $0x6400  }
0x57: {  	[sflag:s18] =	ssyncset.done $0x0  }
0x58: {  	s31 =	sadd.s32 $0x28A0, s21;
	[sflag:s18] =	ssyncadd.s32 $0xFFFF9C00  }
0x59: {  	[spmem:s2] =	stream.indirect.scatter.add.f32 [tilespmem:s16], [sflag:$0x3], $0x40, s31, s15, $0xb8;
	[tilespmem:$0x1B420] =	vst v63  }
0x5a: {  	_ =	swait.ge [sflag:s12], $0x6400  }
0x5b: {  	[sflag:s12] =	ssyncset.done $0x0  }
0x5c: {  	[sflag:s12] =	ssyncadd.s32 $0xFFFF9C00  }
0x5d: {  	_ =	swait.ge [sflag:s17], $0x6400  }
0x5e: {  	[sflag:s17] =	ssyncset.done $0x0  }
0x5f: {  	[sflag:s17] =	ssyncadd.s32 $0xFFFF9C00  }
0x60: {  	[spmem:s2] =	stream.indirect.scatter.add.f32 [tilespmem:s14], [sflag:$0x3], $0x40, s19, s15, $0xb8;
	[tilespmem:$0x1B420] =	vst v63  }
0x61: {  	_ =	swait.ge [sflag:s12], $0x6400  }
0x62: {  	[sflag:s12] =	ssyncset.done $0x0  }
0x63: {  	[sflag:s12] =	ssyncadd.s32 $0xFFFF9C00  }
0x64: {  	[bflag:$0x0] =	sbarrier.arrive $0xFFFF  }
0x65: {  	[tilespmem:s14], [sflag:$0x3] =	stream.linear.gather [spmem:s7], $0x6400, $0x38;
	[tilespmem:$0x1B420] =	vst v63  }
0x66: {  	_ =	swait.ge [sflag:s12], $0x6400  }
0x67: {  	[sflag:s12] =	ssyncset.done $0x0  }
0x68: {  	[sflag:s12] =	ssyncadd.s32 $0xFFFF9C00  }
0x69: {  	[hbm4b:s10+s3] =	stream.linear.scatter [tilespmem:s14], [sflag:$0x3], $0x6400, $0x38;
	[tilespmem:$0x1B420] =	vst v63  }
0x6a: {  	_ =	swait.ge [sflag:s12], $0x6400  }
0x6b: {  	[sflag:s12] =	ssyncset.done $0x0  }
0x6c: {  	[sflag:s12] =	ssyncadd.s32 $0xFFFF9C00  }
0x6d: {  	[tilespmem:s14], [sflag:$0x3] =	stream.linear.gather [spmem:s8], $0x3A00, $0x38;
	[tilespmem:$0x1B420] =	vst v63  }
0x6e: {  	s20 =	sadd.s32 $0x1, s20;
	_ =	swait.ge [sflag:s12], $0x3A00  }
0x6f: {  	p0 =	sne.s32 s20, s9;
	[sflag:s12] =	ssyncset.done $0x0  }
.Ltmp2:
0x70: {  	[sflag:s12] =	ssyncadd.s32 $0xFFFFC600;
	(pc) =	sbr.rel @p0 .LBB2_1-.Ltmp2, $4  }
0x71: {  	[hbm4b:s11+s3] =	stream.linear.scatter [tilespmem:s14], [sflag:$0x3], $0x3A00, $0x38;
	[tilespmem:$0x1B420] =	vst v63  }
0x72: {  	_ =	swait.ge [sflag:s12], $0x3A00  }
0x73: {  	[sflag:s12] =	ssyncset.done $0x0  }
0x74: {  	[sflag:s12] =	ssyncadd.s32 $0xFFFFC600  }
0x75: {  	_ =	sfence.sel $0x180000  }
0x76: {  	[bflag:$0x0] =	sbarrier.arrive $0xFFFF  }
0x77: {  	p0 =	sne.s32 s0, $0x0;
	_ =	strace $0x9000004A  }
0x78: {  	s0 =	sadd.s32 @!p0 $0x100000, s1;
	[bflag:$0x2] =	sbarrier.arrive $0xFFFF  }
0x79: {  	[sflag:s0] =	ssyncadd.tile.s32 @!p0 $0x1;
	_ =	shalt  }
.Lfunc_end2:
_tile_overlayer_lowered:
.L_overlay_start_2:
0x7a: {  	(tag) =	ssettag $0x2  }
0x7b: {  	s0 =	rddreg [dreg:$0x0];
	s2 =	stileid.u32  }
0x7c: {  	s1 =	rddreg [dreg:$0x1];
	p0 =	sne.s32 s2, $0x0  }
0x7d: {  	s3 =	rddreg [dreg:$0x2];
	[bflag:$0x3] =	sbarrier.arrive $0xFFFF;
	s2 =	simm.s32 @!p0 $0x1C03  }
0x7e: {  	[timem:s3], [sflag:s2] =	dma.local @!p0 [hbm:s0], s1  }
0x7f: {  	s0 =	simm.s32 @!p0 $0x3  }
0x80: {  	_ =	swait.ge @!p0 [sflag:s0], s1  }
0x81: {  	s1 =	ssub.s32 @!p0 $0x0, s1;
	[sflag:s0] =	ssyncset.done @!p0 $0x0  }
0x82: {  	[sflag:s0] =	ssyncadd.s32 @!p0 s1  }
0x83: {  	[bflag:$0x3] =	sbarrier.arrive $0xFFFF  }
0x84: {  	_ =	shalt  }

// kernel: kernel.14.cloned.1.call-start
scs
__scs_entry_jumppad:
0x0: {  	(pc) =	sbr.rel $0x88, $3  }
0x1: {  	(tag) =	ssettag $0x0;
	lr =	simm.s32 $0x1  }
0x2: {  	[smem:$0x3F97] =	sst lr;
	_ =	strace $0xD0000000  }
0x3: {  	_ = 	snop  }
0x4: {  	_ = 	snop  }
0x5: {  	_ = 	snop  }
0x6: {  	_ = 	snop  }
0x7: {  	_ = 	snop  }
__scs_overlays_trampoline_lowered:
0x8: {  	[smem:$0x3FA6] =	sst s0  }
0x9: {  	[smem:$0x3FA7] =	sst s1  }
0xa: {  	[smem:$0x3FA8] =	sst s2  }
0xb: {  	[smem:$0x3FA9] =	sst s3  }
0xc: {  	[smem:$0x3FAA] =	sst s4  }
0xd: {  	[smem:$0x3FAB] =	sst s5  }
0xe: {  	[smem:$0x3FAC] =	sst s6  }
0xf: {  	[smem:$0x3FAD] =	sst s7  }
0x10: {  	[smem:$0x3FAE] =	sst s8  }
0x11: {  	[smem:$0x3FAF] =	sst s9;
	s0 =	simm.s32 @!p0 $0x0  }
0x12: {  	s1 =	sld [smem:$0x3F95];
	s0 =	simm.s32 @p0 $0x1  }
0x13: {  	[smem:$0x3FB0] =	sst s0;
	s0 =	simm.s32 @!p1 $0x0  }
0x14: {  	s2 =	sld [smem:$0x3F94];
	s0 =	simm.s32 @p1 $0x1  }
0x15: {  	[smem:$0x3FB1] =	sst s0;
	s0 =	simm.s32 @!p2 $0x0  }
0x16: {  	s3 =	sld [smem:$0x3FDB];
	s0 =	simm.s32 @p2 $0x1  }
0x17: {  	s4 =	simm.s32 $0x1BF5;
	[smem:$0x3FB3] =	sst s0  }
0x18: {  	s0 =	sld [smem:$0x3F96];
	_ =	swait.ge [sflag:s4], $0x0  }
0x19: {  	s7 =	sld [smem:$0x3F97]  }
0x1a: {  	s8 =	sadd.s32 $0xFFFFE003, lr  }
0x1b: {  	s9 =	sadd.s32 $0xFFFFFEF7, lr;
	s5 =	simm.s32 $0xFFFFFFFF;
	p2 =	slt.u32 s8, $0xFFFFF086  }
0x1c: {  	p1 =	slt.u32 s9, $0xF7A;
	s5 =	simm.s32 @!p2 $0x0  }
0x1d: {  	s5 =	simm.s32 @p1 $0x1;
	p0 =	seq.s32 s7, s2  }
0x1e: {  	s7 =	smul.u32 @!p0 $0xF7A, s2;
	p2 =	seq.s32 @!p0 s5, $0x0  }
0x1f: {  	s9 =	smul.u32 $0xF7A, s1;
	s8 =	simm.s32 @!p0 $0x1BF5;
	p2 =	por !p2, p0  }
0x20: {  	[sflag:s8] =	ssyncset.s32 @!p0 $0xFFFFF086;
	s6 =	sadd.s32 @!p0 s3, s7;
	s7 =	simm.s32 @!p0 $0x108  }
0x21: {  	s3 =	sadd.s32 s3, s9;
	s6 =	sadd.s32 @!p0 $0x88, s6;
	s7 =	simm.s32 @p2 $0x1082  }
0x22: {  	[simem:s7], [sflag:s8] =	dma.local @!p0 [hbm:s6], $0xF7A  }
0x23: {  	s9 =	sor.u32 $0xD0000000, s2;
	s6 =	simm.s32 $0x108;
	_ =	swait.ge @!p0 [sflag:s8], $0x0  }
0x24: {  	s3 =	sadd.s32 $0x88, s3;
	s6 =	simm.s32 @!p1 $0x1082;
	[sflag:s4] =	ssyncset.s32 $0xFFFFF086  }
0x25: {  	[simem:s6], [sflag:s4] =	dma.local [hbm:s3], $0xF7A  }
0x26: {  	[smem:$0x3F97] =	sst s1;
	(tag) =	ssettag s2;
	_ =	strace s9  }
0x27: {  	s1 =	sld [smem:$0x3FA7]  }
0x28: {  	s2 =	sld [smem:$0x3FA8]  }
0x29: {  	s4 =	sld [smem:$0x3FAA]  }
0x2a: {  	p0 =	seq.s32 s5, $0x0;
	s5 =	sld [smem:$0x3FAB]  }
0x2b: {  	s6 =	sld [smem:$0x3FAC]  }
0x2c: {  	s7 =	sld [smem:$0x3FAD]  }
0x2d: {  	s3 =	simm.s32 $0x108;
	s8 =	sld [smem:$0x3FAE]  }
0x2e: {  	s3 =	simm.s32 @!p0 $0x1082;
	s9 =	sld [smem:$0x3FAF]  }
0x2f: {  	lr =	sadd.s32 s0, s3;
	s0 =	sld [smem:$0x3FA6]  }
0x30: {  	s3 =	sld [smem:$0x3FA9]  }
0x31: {  	[smem:$0x3FB2] =	sst s10  }
0x32: {  	s10 =	sld [smem:$0x3FB0];
	_ =	sdelay $0x3  }
0x33: {  	p0 =	seq.s32 s10, $0x1;
	s10 =	sld [smem:$0x3FB2];
	_ =	sdelay $0x3  }
0x34: {  	[smem:$0x3FB2] =	sst s10  }
0x35: {  	s10 =	sld [smem:$0x3FB1];
	_ =	sdelay $0x3  }
0x36: {  	p1 =	seq.s32 s10, $0x1;
	s10 =	sld [smem:$0x3FB2];
	_ =	sdelay $0x3  }
0x37: {  	[smem:$0x3FB2] =	sst s10  }
0x38: {  	s10 =	sld [smem:$0x3FB3]  }
0x39: {  	_ = 	snop;
	(pc) =	sbr.ind lr, $3  }
0x3a: {  	_ = 	snop  }
0x3b: {  	_ = 	snop  }
0x3c: {  	p2 =	seq.s32 s10, $0x1;
	s10 =	sld [smem:$0x3FB2]  }
0x3d: {  	_ =	shalt  }
0x3e: {  	_ =	shalt  }
0x3f: {  	_ =	shalt  }
0x40: {  	_ =	shalt  }
0x41: {  	_ =	shalt  }
0x42: {  	_ =	shalt  }
0x43: {  	_ =	shalt  }
0x44: {  	_ =	shalt  }
0x45: {  	_ =	shalt  }
0x46: {  	_ =	shalt  }
0x47: {  	_ =	shalt  }
0x48: {  	_ =	shalt  }
0x49: {  	_ =	shalt  }
0x4a: {  	_ =	shalt  }
0x4b: {  	_ =	shalt  }
0x4c: {  	_ =	shalt  }
0x4d: {  	_ =	shalt  }
0x4e: {  	_ =	shalt  }
0x4f: {  	_ =	shalt  }
0x50: {  	_ =	shalt  }
0x51: {  	_ =	shalt  }
0x52: {  	_ =	shalt  }
0x53: {  	_ =	shalt  }
0x54: {  	_ =	shalt  }
0x55: {  	_ =	shalt  }
0x56: {  	_ =	shalt  }
0x57: {  	_ =	shalt  }
0x58: {  	_ =	shalt  }
0x59: {  	_ =	shalt  }
0x5a: {  	_ =	shalt  }
0x5b: {  	_ =	shalt  }
0x5c: {  	_ =	shalt  }
0x5d: {  	_ =	shalt  }
0x5e: {  	_ =	shalt  }
0x5f: {  	_ =	shalt  }
0x60: {  	_ =	shalt  }
0x61: {  	_ =	shalt  }
0x62: {  	_ =	shalt  }
0x63: {  	_ =	shalt  }
0x64: {  	_ =	shalt  }
0x65: {  	_ =	shalt  }
0x66: {  	_ =	shalt  }
0x67: {  	_ =	shalt  }
0x68: {  	_ =	shalt  }
0x69: {  	_ =	shalt  }
0x6a: {  	_ =	shalt  }
0x6b: {  	_ =	shalt  }
0x6c: {  	_ =	shalt  }
0x6d: {  	_ =	shalt  }
0x6e: {  	_ =	shalt  }
0x6f: {  	_ =	shalt  }
0x70: {  	_ =	shalt  }
0x71: {  	_ =	shalt  }
0x72: {  	_ =	shalt  }
0x73: {  	_ =	shalt  }
0x74: {  	_ =	shalt  }
0x75: {  	_ =	shalt  }
0x76: {  	_ =	shalt  }
0x77: {  	_ =	shalt  }
0x78: {  	_ =	shalt  }
0x79: {  	_ =	shalt  }
0x7a: {  	_ =	shalt  }
0x7b: {  	_ =	shalt  }
0x7c: {  	_ =	shalt  }
0x7d: {  	_ =	shalt  }
0x7e: {  	_ =	shalt  }
0x7f: {  	_ =	shalt  }
0x80: {  	_ =	shalt  }
0x81: {  	_ =	shalt  }
0x82: {  	_ =	shalt  }
0x83: {  	_ =	shalt  }
0x84: {  	_ =	shalt  }
0x85: {  	_ =	shalt  }
0x86: {  	_ =	shalt  }
0x87: {  	_ =	shalt  }
.Lfunc_end0:
.L_simem_size_0:
called_computation.2_lowered:
.L_overlay_start_0:
0x88: {  	s2 =	sld [smem:$0x3FD9]  }
0x89: {  	s3 =	sld [smem:$0x3FFE];
	_ =	sdelay $0x1  }
0x8a: {  	s1 =	srdreg.scid  }
0x8b: {  	s0 =	sand.u32 $0x1, s1  }
0x8c: {  	s16 =	sshll.u32 s0, $0xA;
	s2 =	sadd.s32 s3, s2  }
0x8d: {  	s2 =	sadd.s32 s2, s16  }
0x8e: {  	[smem:$0x3FBE] =	sst s2  }
0x8f: {  	_ = 	snop  }
0x90: {  	(tm) =	ssettm $0x1  }
0x91: {  	s17 =	sld [smem:$0x3FFB];
	_ =	sdelay $0x3  }
0x92: {  	_ =	strace s17  }
0x93: {  	s2 =	sld [smem:$0x3FFC];
	_ =	sdelay $0x3  }
0x94: {  	_ =	strace s2  }
0x95: {  	s2 =	sld [smem:$0x3FFD];
	_ =	sdelay $0x3  }
0x96: {  	_ =	strace s2  }
0x97: {  	_ =	strace $0x8FFFFFFF  }
0x98: {  	s18 =	sld [smem:$0x3FDB];
	_ =	sdelay $0x1  }
0x99: {  	s19 =	simm.s32 $_scs_section_size  }
0x9a: {  	s4 =	simm.s32 $_size__tile_overlayer_lowered;
	s5 =	simm.s32 $_tile_overlayer_lowered  }
0x9b: {  	s22 =	simm.s32 $0x1BFF;
	s21 =	sshll.u32 s5, $0x1;
	s2 =	sadd.s32 s19, s18  }
0x9c: {  	s6 =	simm.s32 $0x0;
	s20 =	sshll.u32 s4, $0x1;
	s4 =	sadd.s32 s21, s2  }
0x9d: {  	[timem:s6], [sflag:s22] =	dma.local [hbm:s4], s20  }
0x9e: {  	_ =	swait.ge [sflag:s22], s20  }
0x9f: {  	s3 =	ssub.s32 $0x0, s20;
	[sflag:s22] =	ssyncset.done $0x0  }
0xa0: {  	[sflag:s22] =	ssyncadd.s32 s3;
	_ =	sdelay $0x1  }
0xa1: {  	s23 =	simm.s32 $0x1B8B  }
0xa2: {  	_ =	swait.ge [sflag:s23], $0x1  }
0xa3: {  	[sflag:s23] =	ssyncset.done $0x0  }
0xa4: {  	s25 =	simm.s32 $0x1B8E;
	s24 =	sld [smem:$0x3FFE];
	[sflag:s23] =	ssyncadd.s32 $0xFFFFFFFF  }
0xa5: {  	s26 =	simm.s32 $execute0_lowered;
	[smem:$0x3FD2] =	sst s25  }
0xa6: {  	s4 =	sshll.u32 s26, $0x1;
	_ =	strace $0x8000004C;
	[dreg:$0x1] =	wrdreg $0xFFFFFFFF  }
0xa7: {  	s28 =	simm.s32 $_size_execute0_lowered;
	s2 =	sadd.s32 s2, s4;
	[dreg:$0x0] =	wrdreg $0x0  }
0xa8: {  	s4 =	sshll.u32 s28, $0x1;
	[dreg:$0x2] =	wrdreg s2  }
0xa9: {  	[dreg:$0x3] =	wrdreg s4  }
0xaa: {  	[dreg:$0x4] =	wrdreg $0xC0  }
0xab: {  	_ =	task [dreg:s6], $0x5FFFF  }
0xac: {  	[dreg:$0x1] =	wrdreg $0xFFFFFFFF  }
0xad: {  	[dreg:$0x0] =	wrdreg $0x60  }
0xae: {  	[dreg:$0x2] =	wrdreg s24  }
0xaf: {  	[dreg:$0x3] =	wrdreg $0x116200  }
0xb0: {  	[dreg:$0x4] =	wrdreg $0x9  }
0xb1: {  	_ =	task.clear_ibuf [dreg:s6], $0x5FFFF;
	_ =	strace $0x9000004C  }
0xb2: {  	s29 =	simm.s32 $0x9;
	_ =	strace $0x8000004E  }
0xb3: {  	_ =	swait.ge [sflag:s29], $0x1  }
0xb4: {  	[sflag:s29] =	ssyncadd.s32 $0xFFFFFFFF  }
0xb5: {  	_ =	strace $0x9000004E  }
0xb6: {  	_ =	sfence  }
0xb7: {  	s30 =	sld [smem:$0x0];
	_ =	sdelay $0x2  }
0xb8: {  	s31 =	sshll.u32 s1, $0xD;
	s1 =	sshrl.u32 s1, $0x2  }
0xb9: {  	s3 =	sand.u32 $0x4000, s31;
	s1 =	sadd.s32 s1, s30  }
0xba: {  	s0 =	sor.u32 s3, s0;
	s1 =	sshll.u32 s1, $0x11  }
0xbb: {  	s0 =	sor.u32 s1, s0  }
0xbc: {  	s0 =	sadd.s32 $0x8F2B, s0  }
0xbd: {  	[sflag:s0] =	ssyncadd.remote.s32 $0x1  }
0xbe: {  	_ =	sfence.sel $0xFFFF  }
0xbf: {  	[dreg:$0x0] =	wrdreg $0xFFFFFFFF;
	(pc) =	sbr.abs _section_cstart, $3  }
0xc0: {  	[dreg:$0x1] =	wrdreg $0xFFFFFFFF  }
0xc1: {  	_ =	task.clear_ibuf [dreg:s6], $0x2FFFF;
	_ =	strace $0x9FFFFFFF  }
0xc2: {  	(tm) =	ssettm $0x7FFFFFFF  }
0xc3: {  	_ =	shalt  }
tec
execute0_lowered:
.L_overlay_start_1:
0x0: {  	(tag) =	ssettag $0x1  }
0x1: {  	s9 =	rddreg [dreg:$0x0]  }
0x2: {  	s1 =	srdreg.scid;
	s0 =	stileid.u32  }
0x3: {  	s2 =	rddreg [dreg:$0x1];
	s3 =	simm.s32 $0x0;
	s13 =	simm.s32 $0x3E200  }
0x4: {  	s14 =	simm.s32 $0x4E20;
	s15 =	simm.s32 $0x190;
	s16 =	simm.s32 $0xB220  }
0x5: {  	s17 =	simm.s32 $0x1;
	s18 =	simm.s32 $0x2;
	s19 =	simm.s32 $0x4C90  }
0x6: {  	s20 =	simm.s32 $0x0;
	s7 =	sand.u32 $0x1, s1;
	s1 =	rddreg [dreg:$0x2]  }
0x7: {  	s4 =	sshll.u32 s0, $0x1;
	[smem:$0x7FF] =	sst s3;
	s10 =	smul.u32 $0x9E00, s0  }
0x8: {  	s4 =	sor.u32 s7, s4;
	_ =	strace $0x8000004D;
	s6 =	ssub.s32 $0x2, s7  }
0x9: {  	p0 =	seq.s32 s7, $0x0;
	s5 =	smul.u32 $0x2710, s4;
	s4 =	sadd.s32 $0x16C00, s9  }
0xa: {  	s31 =	sshrl.u32 s6, $0x1;
	s12 =	sadd.s32 $0x6400, s10;
	s7 =	sadd.s32 s10, s2  }
0xb: {  	s13 =	simm.s32 @!p0 $0x2A600;
	s10 =	sshrl.u32 s10, $0x3;
	s5 =	sshrl.u32 s5, $0x3  }
0xc: {  	s11 =	ssub.s32 s6, s31;
	s13 =	sadd.s32 s13, s9;
	s8 =	sadd.s32 s5, s9  }
0xd: {  	s10 =	sadd.s32 s13, s10;
	s9 =	smax.u32 s11, $0x1;
	s5 =	sadd.s32 $0x3200, s8  }
0xe: {  	s6 =	sadd.s32 $0xCE40, s8;
	s8 =	sadd.s32 s12, s2;
	s12 =	sshrl.u32 s12, $0x3  }
0xf: {  	v0 =	vimm.f32 $0.0e+00;
	s11 =	sadd.s32 s13, s12;
	s12 =	simm.s32 $0x3;
	s13 =	simm.s32 $0x2710  }
.LBB2_1:
0x10: {  	[tilespmem:s3], [sflag:$0x3] =	stream.linear.gather [hbm4b:s5+s3], $0x2710, $0x38;
	[tilespmem:$0x1B420] =	vst v63  }
0x11: {  	_ =	swait.ge [sflag:s12], $0x2710  }
0x12: {  	[sflag:s12] =	ssyncset.done $0x0  }
0x13: {  	[sflag:s12] =	ssyncadd.s32 $0xFFFFD8F0  }
0x14: {  	[tilespmem:s13], [sflag:$0x3] =	stream.linear.gather [hbm4b:s6+s3], $0x2710, $0x38;
	[tilespmem:$0x1B420] =	vst v63  }
0x15: {  	_ =	swait.ge [sflag:s12], $0x2710  }
0x16: {  	[sflag:s12] =	ssyncset.done $0x0  }
0x17: {  	s22 =	simm.s32 $0x100;
	s21 =	simm.s32 $0x0;
	[sflag:s12] =	ssyncadd.s32 $0xFFFFD8F0  }
.LBB2_2:
0x18: {  	p0 =	sne.s32 s22, $0x18F00;
	[tilespmem:s21+$0x4E50] =	vst v0;
	s23 =	smov.u32 s22;
	s22 =	sadd.s32 $0x100, s22  }
.Ltmp0:
0x19: {  	[tilespmem:s21+$0x4E40] =	vst v0;
	(pc) =	sbr.rel @p0 .LBB2_2-.Ltmp0, $3  }
0x1a: {  	[tilespmem:s21+$0x4E20] =	vst v0  }
0x1b: {  	[tilespmem:s21+$0x4E30] =	vst v0;
	_ =	sdelay $0x1  }
0x1c: {  	s21 =	sshra.s32 s23, $0x2  }
0x1d: {  	[tilespmem:s21+$0x4E50] =	vst v0  }
0x1e: {  	[tilespmem:s21+$0x4E40] =	vst v0  }
0x1f: {  	[tilespmem:s21+$0x4E20] =	vst v0  }
0x20: {  	[tilespmem:s21+$0x4E30] =	vst v0  }
0x21: {  	[spmem:s7] =	stream.linear.scatter [tilespmem:s14], [sflag:$0x3], $0x6400, $0x38;
	[tilespmem:$0x1B420] =	vst v63  }
0x22: {  	_ =	swait.ge [sflag:s12], $0x6400  }
0x23: {  	[sflag:s12] =	ssyncset.done $0x0  }
0x24: {  	[sflag:s12] =	ssyncadd.s32 $0xFFFF9C00  }
0x25: {  	[spmem:s8] =	stream.linear.scatter [tilespmem:s14], [sflag:$0x3], $0x3A00, $0x38;
	[tilespmem:$0x1B420] =	vst v63  }
0x26: {  	_ =	swait.ge [sflag:s12], $0x3A00  }
0x27: {  	[sflag:s12] =	ssyncset.done $0x0  }
0x28: {  	[sflag:s12] =	ssyncadd.s32 $0xFFFFC600  }
0x29: {  	s26 =	simm.s32 $0x0;
	[bflag:$0x0] =	sbarrier.arrive $0xFFFF  }
0x2a: {  	[tilespmem:s14], [sflag:$0x1] =	stream.indirect.gather [hbm4b:s4+s15], $0x40, s26, s15, $0xb8;
	[tilespmem:$0x1B420] =	vst v63  }
0x2b: {  	s28 =	simm.s32 $0x190  }
0x2c: {  	[tilespmem:s16], [sflag:$0x2] =	stream.indirect.gather [hbm4b:s4+s15], $0x40, s28, s15, $0xb8;
	[tilespmem:$0x1B420] =	vst v63  }
0x2d: {  	_ =	swait.ge [sflag:s17], $0x6400  }
0x2e: {  	[sflag:s17] =	ssyncset.done $0x0  }
0x2f: {  	s29 =	simm.s32 $0x2710;
	[sflag:s17] =	ssyncadd.s32 $0xFFFF9C00  }
0x30: {  	[spmem:s2] =	stream.indirect.scatter.add.f32 [tilespmem:s14], [sflag:$0x3], $0x40, s29, s15, $0xb8;
	[tilespmem:$0x1B420] =	vst v63  }
0x31: {  	_ =	swait.ge [sflag:s12], $0x6400  }
0x32: {  	[sflag:s12] =	ssyncset.done $0x0  }
0x33: {  	s30 =	simm.s32 $0x320;
	[sflag:s12] =	ssyncadd.s32 $0xFFFF9C00  }
0x34: {  	[tilespmem:s14], [sflag:$0x1] =	stream.indirect.gather [hbm4b:s4+s15], $0x40, s30, s15, $0xb8;
	[tilespmem:$0x1B420] =	vst v63  }
0x35: {  	_ =	swait.ge [sflag:s18], $0x6400  }
0x36: {  	[sflag:s18] =	ssyncset.done $0x0  }
0x37: {  	s31 =	simm.s32 $0x28A0;
	[sflag:s18] =	ssyncadd.s32 $0xFFFF9C00  }
0x38: {  	[spmem:s2] =	stream.indirect.scatter.add.f32 [tilespmem:s16], [sflag:$0x3], $0x40, s31, s15, $0xb8;
	[tilespmem:$0x1B420] =	vst v63  }
0x39: {  	_ =	swait.ge [sflag:s12], $0x6400  }
0x3a: {  	s22 =	simm.s32 $0x1900;
	s21 =	simm.s32 $0x320;
	[sflag:s12] =	ssyncset.done $0x0  }
.LBB2_4:
0x3b: {  	s23 =	sadd.s32 $0x190, s21  }
0x3c: {  	[sflag:s12] =	ssyncadd.s32 $0xFFFF9C00;
	s24 =	smov.u32 s22;
	s25 =	sadd.s32 $0xC80, s22  }
0x3d: {  	[tilespmem:s16], [sflag:$0x2] =	stream.indirect.gather [hbm4b:s4+s15], $0x40, s23, s15, $0xb8;
	[tilespmem:$0x1B420] =	vst v63  }
0x3e: {  	p0 =	sne.s32 s22, $0x8980;
	_ =	swait.ge [sflag:s17], $0x6400  }
0x3f: {  	[sflag:s17] =	ssyncset.done $0x0  }
0x40: {  	s22 =	sadd.s32 $0x2710, s21;
	[sflag:s17] =	ssyncadd.s32 $0xFFFF9C00  }
0x41: {  	[spmem:s2] =	stream.indirect.scatter.add.f32 [tilespmem:s14], [sflag:$0x3], $0x40, s22, s15, $0xb8;
	[tilespmem:$0x1B420] =	vst v63  }
0x42: {  	_ =	swait.ge [sflag:s12], $0x6400  }
0x43: {  	[sflag:s12] =	ssyncset.done $0x0  }
0x44: {  	s22 =	sadd.s32 $0x320, s21;
	[sflag:s12] =	ssyncadd.s32 $0xFFFF9C00  }
0x45: {  	[tilespmem:s14], [sflag:$0x1] =	stream.indirect.gather [hbm4b:s4+s15], $0x40, s22, s15, $0xb8;
	[tilespmem:$0x1B420] =	vst v63  }
0x46: {  	_ =	swait.ge [sflag:s18], $0x6400  }
.Ltmp1:
0x47: {  	[sflag:s18] =	ssyncset.done $0x0;
	(pc) =	sbr.rel @p0 .LBB2_4-.Ltmp1, $4  }
0x48: {  	s21 =	sadd.s32 $0x28A0, s21;
	[sflag:s18] =	ssyncadd.s32 $0xFFFF9C00  }
0x49: {  	[spmem:s2] =	stream.indirect.scatter.add.f32 [tilespmem:s16], [sflag:$0x3], $0x40, s21, s15, $0xb8;
	[tilespmem:$0x1B420] =	vst v63  }
0x4a: {  	_ =	swait.ge [sflag:s12], $0x6400  }
0x4b: {  	s22 =	smov.u32 s25;
	s21 =	sshra.s32 s24, $0x2;
	[sflag:s12] =	ssyncset.done $0x0  }
0x4c: {  	s22 =	sadd.s32 $0x190, s21;
	[sflag:s12] =	ssyncadd.s32 $0xFFFF9C00  }
0x4d: {  	[tilespmem:s16], [sflag:$0x2] =	stream.indirect.gather [hbm4b:s4+s15], $0x40, s22, s15, $0xb8;
	[tilespmem:$0x1B420] =	vst v63  }
0x4e: {  	_ =	swait.ge [sflag:s17], $0x6400  }
0x4f: {  	[sflag:s17] =	ssyncset.done $0x0  }
0x50: {  	s29 =	sadd.s32 $0x2710, s21;
	[sflag:s17] =	ssyncadd.s32 $0xFFFF9C00  }
0x51: {  	[spmem:s2] =	stream.indirect.scatter.add.f32 [tilespmem:s14], [sflag:$0x3], $0x40, s29, s15, $0xb8;
	[tilespmem:$0x1B420] =	vst v63  }
0x52: {  	_ =	swait.ge [sflag:s12], $0x6400  }
0x53: {  	[sflag:s12] =	ssyncset.done $0x0  }
0x54: {  	s30 =	sadd.s32 $0x320, s21;
	[sflag:s12] =	ssyncadd.s32 $0xFFFF9C00  }
0x55: {  	[tilespmem:s14], [sflag:$0x1] =	stream.indirect.gather [hbm4b:s4+s15], $0x40, s30, s15, $0xb8;
	[tilespmem:$0x1B420] =	vst v63  }
0x56: {  	_ =	swait.ge [sflag:s18], $0x6400  }
0x57: {  	[sflag:s18] =	ssyncset.done $0x0  }
0x58: {  	s31 =	sadd.s32 $0x28A0, s21;
	[sflag:s18] =	ssyncadd.s32 $0xFFFF9C00  }
0x59: {  	[spmem:s2] =	stream.indirect.scatter.add.f32 [tilespmem:s16], [sflag:$0x3], $0x40, s31, s15, $0xb8;
	[tilespmem:$0x1B420] =	vst v63  }
0x5a: {  	_ =	swait.ge [sflag:s12], $0x6400  }
0x5b: {  	[sflag:s12] =	ssyncset.done $0x0  }
0x5c: {  	[sflag:s12] =	ssyncadd.s32 $0xFFFF9C00  }
0x5d: {  	_ =	swait.ge [sflag:s17], $0x6400  }
0x5e: {  	[sflag:s17] =	ssyncset.done $0x0  }
0x5f: {  	[sflag:s17] =	ssyncadd.s32 $0xFFFF9C00  }
0x60: {  	[spmem:s2] =	stream.indirect.scatter.add.f32 [tilespmem:s14], [sflag:$0x3], $0x40, s19, s15, $0xb8;
	[tilespmem:$0x1B420] =	vst v63  }
0x61: {  	_ =	swait.ge [sflag:s12], $0x6400  }
0x62: {  	[sflag:s12] =	ssyncset.done $0x0  }
0x63: {  	[sflag:s12] =	ssyncadd.s32 $0xFFFF9C00  }
0x64: {  	[bflag:$0x0] =	sbarrier.arrive $0xFFFF  }
0x65: {  	[tilespmem:s14], [sflag:$0x3] =	stream.linear.gather [spmem:s7], $0x6400, $0x38;
	[tilespmem:$0x1B420] =	vst v63  }
0x66: {  	_ =	swait.ge [sflag:s12], $0x6400  }
0x67: {  	[sflag:s12] =	ssyncset.done $0x0  }
0x68: {  	[sflag:s12] =	ssyncadd.s32 $0xFFFF9C00  }
0x69: {  	[hbm4b:s10+s3] =	stream.linear.scatter [tilespmem:s14], [sflag:$0x3], $0x6400, $0x38;
	[tilespmem:$0x1B420] =	vst v63  }
0x6a: {  	_ =	swait.ge [sflag:s12], $0x6400  }
0x6b: {  	[sflag:s12] =	ssyncset.done $0x0  }
0x6c: {  	[sflag:s12] =	ssyncadd.s32 $0xFFFF9C00  }
0x6d: {  	[tilespmem:s14], [sflag:$0x3] =	stream.linear.gather [spmem:s8], $0x3A00, $0x38;
	[tilespmem:$0x1B420] =	vst v63  }
0x6e: {  	s20 =	sadd.s32 $0x1, s20;
	_ =	swait.ge [sflag:s12], $0x3A00  }
0x6f: {  	p0 =	sne.s32 s20, s9;
	[sflag:s12] =	ssyncset.done $0x0  }
.Ltmp2:
0x70: {  	[sflag:s12] =	ssyncadd.s32 $0xFFFFC600;
	(pc) =	sbr.rel @p0 .LBB2_1-.Ltmp2, $4  }
0x71: {  	[hbm4b:s11+s3] =	stream.linear.scatter [tilespmem:s14], [sflag:$0x3], $0x3A00, $0x38;
	[tilespmem:$0x1B420] =	vst v63  }
0x72: {  	_ =	swait.ge [sflag:s12], $0x3A00  }
0x73: {  	[sflag:s12] =	ssyncset.done $0x0  }
0x74: {  	[sflag:s12] =	ssyncadd.s32 $0xFFFFC600  }
0x75: {  	_ =	sfence.sel $0x180000  }
0x76: {  	[bflag:$0x0] =	sbarrier.arrive $0xFFFF  }
0x77: {  	p0 =	sne.s32 s0, $0x0;
	_ =	strace $0x9000004D  }
0x78: {  	s0 =	sadd.s32 @!p0 $0x100000, s1;
	[bflag:$0x2] =	sbarrier.arrive $0xFFFF  }
0x79: {  	[sflag:s0] =	ssyncadd.tile.s32 @!p0 $0x1;
	_ =	shalt  }
.Lfunc_end2:
_tile_overlayer_lowered:
.L_overlay_start_2:
0x7a: {  	(tag) =	ssettag $0x2  }
0x7b: {  	s0 =	rddreg [dreg:$0x0];
	s2 =	stileid.u32  }
0x7c: {  	s1 =	rddreg [dreg:$0x1];
	p0 =	sne.s32 s2, $0x0  }
0x7d: {  	s3 =	rddreg [dreg:$0x2];
	[bflag:$0x3] =	sbarrier.arrive $0xFFFF;
	s2 =	simm.s32 @!p0 $0x1C03  }
0x7e: {  	[timem:s3], [sflag:s2] =	dma.local @!p0 [hbm:s0], s1  }
0x7f: {  	s0 =	simm.s32 @!p0 $0x3  }
0x80: {  	_ =	swait.ge @!p0 [sflag:s0], s1  }
0x81: {  	s1 =	ssub.s32 @!p0 $0x0, s1;
	[sflag:s0] =	ssyncset.done @!p0 $0x0  }
0x82: {  	[sflag:s0] =	ssyncadd.s32 @!p0 s1  }
0x83: {  	[bflag:$0x3] =	sbarrier.arrive $0xFFFF  }
0x84: {  	_ =	shalt  }

// kernel: kernel.8.cloned.1.call-start
scs
__scs_entry_jumppad:
0x0: {  	(pc) =	sbr.rel $0x88, $3  }
0x1: {  	(tag) =	ssettag $0x0;
	lr =	simm.s32 $0x1  }
0x2: {  	[smem:$0x3F97] =	sst lr;
	_ =	strace $0xD0000000  }
0x3: {  	_ = 	snop  }
0x4: {  	_ = 	snop  }
0x5: {  	_ = 	snop  }
0x6: {  	_ = 	snop  }
0x7: {  	_ = 	snop  }
__scs_overlays_trampoline_lowered:
0x8: {  	[smem:$0x3FA6] =	sst s0  }
0x9: {  	[smem:$0x3FA7] =	sst s1  }
0xa: {  	[smem:$0x3FA8] =	sst s2  }
0xb: {  	[smem:$0x3FA9] =	sst s3  }
0xc: {  	[smem:$0x3FAA] =	sst s4  }
0xd: {  	[smem:$0x3FAB] =	sst s5  }
0xe: {  	[smem:$0x3FAC] =	sst s6  }
0xf: {  	[smem:$0x3FAD] =	sst s7  }
0x10: {  	[smem:$0x3FAE] =	sst s8  }
0x11: {  	[smem:$0x3FAF] =	sst s9;
	s0 =	simm.s32 @!p0 $0x0  }
0x12: {  	s1 =	sld [smem:$0x3F95];
	s0 =	simm.s32 @p0 $0x1  }
0x13: {  	[smem:$0x3FB0] =	sst s0;
	s0 =	simm.s32 @!p1 $0x0  }
0x14: {  	s2 =	sld [smem:$0x3F94];
	s0 =	simm.s32 @p1 $0x1  }
0x15: {  	[smem:$0x3FB1] =	sst s0;
	s0 =	simm.s32 @!p2 $0x0  }
0x16: {  	s3 =	sld [smem:$0x3FDB];
	s0 =	simm.s32 @p2 $0x1  }
0x17: {  	s4 =	simm.s32 $0x1BF5;
	[smem:$0x3FB3] =	sst s0  }
0x18: {  	s0 =	sld [smem:$0x3F96];
	_ =	swait.ge [sflag:s4], $0x0  }
0x19: {  	s7 =	sld [smem:$0x3F97]  }
0x1a: {  	s8 =	sadd.s32 $0xFFFFE003, lr  }
0x1b: {  	s9 =	sadd.s32 $0xFFFFFEF7, lr;
	s5 =	simm.s32 $0xFFFFFFFF;
	p2 =	slt.u32 s8, $0xFFFFF086  }
0x1c: {  	p1 =	slt.u32 s9, $0xF7A;
	s5 =	simm.s32 @!p2 $0x0  }
0x1d: {  	s5 =	simm.s32 @p1 $0x1;
	p0 =	seq.s32 s7, s2  }
0x1e: {  	s7 =	smul.u32 @!p0 $0xF7A, s2;
	p2 =	seq.s32 @!p0 s5, $0x0  }
0x1f: {  	s9 =	smul.u32 $0xF7A, s1;
	s8 =	simm.s32 @!p0 $0x1BF5;
	p2 =	por !p2, p0  }
0x20: {  	[sflag:s8] =	ssyncset.s32 @!p0 $0xFFFFF086;
	s6 =	sadd.s32 @!p0 s3, s7;
	s7 =	simm.s32 @!p0 $0x108  }
0x21: {  	s3 =	sadd.s32 s3, s9;
	s6 =	sadd.s32 @!p0 $0x88, s6;
	s7 =	simm.s32 @p2 $0x1082  }
0x22: {  	[simem:s7], [sflag:s8] =	dma.local @!p0 [hbm:s6], $0xF7A  }
0x23: {  	s9 =	sor.u32 $0xD0000000, s2;
	s6 =	simm.s32 $0x108;
	_ =	swait.ge @!p0 [sflag:s8], $0x0  }
0x24: {  	s3 =	sadd.s32 $0x88, s3;
	s6 =	simm.s32 @!p1 $0x1082;
	[sflag:s4] =	ssyncset.s32 $0xFFFFF086  }
0x25: {  	[simem:s6], [sflag:s4] =	dma.local [hbm:s3], $0xF7A  }
0x26: {  	[smem:$0x3F97] =	sst s1;
	(tag) =	ssettag s2;
	_ =	strace s9  }
0x27: {  	s1 =	sld [smem:$0x3FA7]  }
0x28: {  	s2 =	sld [smem:$0x3FA8]  }
0x29: {  	s4 =	sld [smem:$0x3FAA]  }
0x2a: {  	p0 =	seq.s32 s5, $0x0;
	s5 =	sld [smem:$0x3FAB]  }
0x2b: {  	s6 =	sld [smem:$0x3FAC]  }
0x2c: {  	s7 =	sld [smem:$0x3FAD]  }
0x2d: {  	s3 =	simm.s32 $0x108;
	s8 =	sld [smem:$0x3FAE]  }
0x2e: {  	s3 =	simm.s32 @!p0 $0x1082;
	s9 =	sld [smem:$0x3FAF]  }
0x2f: {  	lr =	sadd.s32 s0, s3;
	s0 =	sld [smem:$0x3FA6]  }
0x30: {  	s3 =	sld [smem:$0x3FA9]  }
0x31: {  	[smem:$0x3FB2] =	sst s10  }
0x32: {  	s10 =	sld [smem:$0x3FB0];
	_ =	sdelay $0x3  }
0x33: {  	p0 =	seq.s32 s10, $0x1;
	s10 =	sld [smem:$0x3FB2];
	_ =	sdelay $0x3  }
0x34: {  	[smem:$0x3FB2] =	sst s10  }
0x35: {  	s10 =	sld [smem:$0x3FB1];
	_ =	sdelay $0x3  }
0x36: {  	p1 =	seq.s32 s10, $0x1;
	s10 =	sld [smem:$0x3FB2];
	_ =	sdelay $0x3  }
0x37: {  	[smem:$0x3FB2] =	sst s10  }
0x38: {  	s10 =	sld [smem:$0x3FB3]  }
0x39: {  	_ = 	snop;
	(pc) =	sbr.ind lr, $3  }
0x3a: {  	_ = 	snop  }
0x3b: {  	_ = 	snop  }
0x3c: {  	p2 =	seq.s32 s10, $0x1;
	s10 =	sld [smem:$0x3FB2]  }
0x3d: {  	_ =	shalt  }
0x3e: {  	_ =	shalt  }
0x3f: {  	_ =	shalt  }
0x40: {  	_ =	shalt  }
0x41: {  	_ =	shalt  }
0x42: {  	_ =	shalt  }
0x43: {  	_ =	shalt  }
0x44: {  	_ =	shalt  }
0x45: {  	_ =	shalt  }
0x46: {  	_ =	shalt  }
0x47: {  	_ =	shalt  }
0x48: {  	_ =	shalt  }
0x49: {  	_ =	shalt  }
0x4a: {  	_ =	shalt  }
0x4b: {  	_ =	shalt  }
0x4c: {  	_ =	shalt  }
0x4d: {  	_ =	shalt  }
0x4e: {  	_ =	shalt  }
0x4f: {  	_ =	shalt  }
0x50: {  	_ =	shalt  }
0x51: {  	_ =	shalt  }
0x52: {  	_ =	shalt  }
0x53: {  	_ =	shalt  }
0x54: {  	_ =	shalt  }
0x55: {  	_ =	shalt  }
0x56: {  	_ =	shalt  }
0x57: {  	_ =	shalt  }
0x58: {  	_ =	shalt  }
0x59: {  	_ =	shalt  }
0x5a: {  	_ =	shalt  }
0x5b: {  	_ =	shalt  }
0x5c: {  	_ =	shalt  }
0x5d: {  	_ =	shalt  }
0x5e: {  	_ =	shalt  }
0x5f: {  	_ =	shalt  }
0x60: {  	_ =	shalt  }
0x61: {  	_ =	shalt  }
0x62: {  	_ =	shalt  }
0x63: {  	_ =	shalt  }
0x64: {  	_ =	shalt  }
0x65: {  	_ =	shalt  }
0x66: {  	_ =	shalt  }
0x67: {  	_ =	shalt  }
0x68: {  	_ =	shalt  }
0x69: {  	_ =	shalt  }
0x6a: {  	_ =	shalt  }
0x6b: {  	_ =	shalt  }
0x6c: {  	_ =	shalt  }
0x6d: {  	_ =	shalt  }
0x6e: {  	_ =	shalt  }
0x6f: {  	_ =	shalt  }
0x70: {  	_ =	shalt  }
0x71: {  	_ =	shalt  }
0x72: {  	_ =	shalt  }
0x73: {  	_ =	shalt  }
0x74: {  	_ =	shalt  }
0x75: {  	_ =	shalt  }
0x76: {  	_ =	shalt  }
0x77: {  	_ =	shalt  }
0x78: {  	_ =	shalt  }
0x79: {  	_ =	shalt  }
0x7a: {  	_ =	shalt  }
0x7b: {  	_ =	shalt  }
0x7c: {  	_ =	shalt  }
0x7d: {  	_ =	shalt  }
0x7e: {  	_ =	shalt  }
0x7f: {  	_ =	shalt  }
0x80: {  	_ =	shalt  }
0x81: {  	_ =	shalt  }
0x82: {  	_ =	shalt  }
0x83: {  	_ =	shalt  }
0x84: {  	_ =	shalt  }
0x85: {  	_ =	shalt  }
0x86: {  	_ =	shalt  }
0x87: {  	_ =	shalt  }
.Lfunc_end0:
.L_simem_size_0:
called_computation_lowered:
.L_overlay_start_0:
0x88: {  	s2 =	sld [smem:$0x3FD9]  }
0x89: {  	s3 =	sld [smem:$0x3FFE];
	_ =	sdelay $0x1  }
0x8a: {  	s1 =	srdreg.scid  }
0x8b: {  	s0 =	sand.u32 $0x1, s1  }
0x8c: {  	s16 =	sshll.u32 s0, $0xA;
	s2 =	sadd.s32 s3, s2  }
0x8d: {  	s2 =	sadd.s32 s2, s16  }
0x8e: {  	[smem:$0x3FBE] =	sst s2  }
0x8f: {  	_ = 	snop  }
0x90: {  	(tm) =	ssettm $0x1  }
0x91: {  	s17 =	sld [smem:$0x3FFB];
	_ =	sdelay $0x3  }
0x92: {  	_ =	strace s17  }
0x93: {  	s2 =	sld [smem:$0x3FFC];
	_ =	sdelay $0x3  }
0x94: {  	_ =	strace s2  }
0x95: {  	s2 =	sld [smem:$0x3FFD];
	_ =	sdelay $0x3  }
0x96: {  	_ =	strace s2  }
0x97: {  	_ =	strace $0x8FFFFFFF  }
0x98: {  	s18 =	sld [smem:$0x3FDB];
	_ =	sdelay $0x1  }
0x99: {  	s19 =	simm.s32 $_scs_section_size  }
0x9a: {  	s4 =	simm.s32 $_size__tile_overlayer_lowered;
	s5 =	simm.s32 $_tile_overlayer_lowered  }
0x9b: {  	s22 =	simm.s32 $0x1BFF;
	s21 =	sshll.u32 s5, $0x1;
	s2 =	sadd.s32 s19, s18  }
0x9c: {  	s6 =	simm.s32 $0x0;
	s20 =	sshll.u32 s4, $0x1;
	s4 =	sadd.s32 s21, s2  }
0x9d: {  	[timem:s6], [sflag:s22] =	dma.local [hbm:s4], s20  }
0x9e: {  	_ =	swait.ge [sflag:s22], s20  }
0x9f: {  	s3 =	ssub.s32 $0x0, s20;
	[sflag:s22] =	ssyncset.done $0x0  }
0xa0: {  	[sflag:s22] =	ssyncadd.s32 s3;
	_ =	sdelay $0x1  }
0xa1: {  	s23 =	simm.s32 $0x1B8B  }
0xa2: {  	_ =	swait.ge [sflag:s23], $0x1  }
0xa3: {  	[sflag:s23] =	ssyncset.done $0x0  }
0xa4: {  	s25 =	simm.s32 $0x1B8E;
	s24 =	sld [smem:$0x3FFE];
	[sflag:s23] =	ssyncadd.s32 $0xFFFFFFFF  }
0xa5: {  	s26 =	simm.s32 $execute0_lowered;
	[smem:$0x3FD2] =	sst s25  }
0xa6: {  	s4 =	sshll.u32 s26, $0x1;
	_ =	strace $0x80000046;
	[dreg:$0x1] =	wrdreg $0xFFFFFFFF  }
0xa7: {  	s28 =	simm.s32 $_size_execute0_lowered;
	s2 =	sadd.s32 s2, s4;
	[dreg:$0x0] =	wrdreg $0x0  }
0xa8: {  	s4 =	sshll.u32 s28, $0x1;
	[dreg:$0x2] =	wrdreg s2  }
0xa9: {  	[dreg:$0x3] =	wrdreg s4  }
0xaa: {  	[dreg:$0x4] =	wrdreg $0xC0  }
0xab: {  	_ =	task [dreg:s6], $0x5FFFF  }
0xac: {  	[dreg:$0x1] =	wrdreg $0xFFFFFFFF  }
0xad: {  	[dreg:$0x0] =	wrdreg $0x60  }
0xae: {  	[dreg:$0x2] =	wrdreg s24  }
0xaf: {  	[dreg:$0x3] =	wrdreg $0x2B200  }
0xb0: {  	[dreg:$0x4] =	wrdreg $0x9  }
0xb1: {  	_ =	task.clear_ibuf [dreg:s6], $0x5FFFF;
	_ =	strace $0x90000046  }
0xb2: {  	s29 =	simm.s32 $0x9;
	_ =	strace $0x80000048  }
0xb3: {  	_ =	swait.ge [sflag:s29], $0x1  }
0xb4: {  	[sflag:s29] =	ssyncadd.s32 $0xFFFFFFFF  }
0xb5: {  	_ =	strace $0x90000048  }
0xb6: {  	_ =	sfence  }
0xb7: {  	s30 =	sld [smem:$0x0];
	_ =	sdelay $0x2  }
0xb8: {  	s31 =	sshll.u32 s1, $0xD;
	s1 =	sshrl.u32 s1, $0x2  }
0xb9: {  	s3 =	sand.u32 $0x4000, s31;
	s1 =	sadd.s32 s1, s30  }
0xba: {  	s0 =	sor.u32 s3, s0;
	s1 =	sshll.u32 s1, $0x11  }
0xbb: {  	s0 =	sor.u32 s1, s0  }
0xbc: {  	s0 =	sadd.s32 $0x8F2B, s0  }
0xbd: {  	[sflag:s0] =	ssyncadd.remote.s32 $0x1  }
0xbe: {  	_ =	sfence.sel $0xFFFF  }
0xbf: {  	[dreg:$0x0] =	wrdreg $0xFFFFFFFF;
	(pc) =	sbr.abs _section_cstart, $3  }
0xc0: {  	[dreg:$0x1] =	wrdreg $0xFFFFFFFF  }
0xc1: {  	_ =	task.clear_ibuf [dreg:s6], $0x2FFFF;
	_ =	strace $0x9FFFFFFF  }
0xc2: {  	(tm) =	ssettm $0x7FFFFFFF  }
0xc3: {  	_ =	shalt  }
tec
execute0_lowered:
.L_overlay_start_1:
0x0: {  	(tag) =	ssettag $0x1  }
0x1: {  	s4 =	rddreg [dreg:$0x0]  }
0x2: {  	s2 =	rddreg [dreg:$0x1]  }
0x3: {  	s0 =	rddreg [dreg:$0x2];
	s3 =	srdreg.scid  }
0x4: {  	s1 =	stileid.u32;
	s10 =	simm.s32 $0x190;
	s11 =	simm.s32 $0x2710  }
0x5: {  	s12 =	simm.s32 $0x0;
	s5 =	sand.u32 $0x1, s3;
	s6 =	smul.u32 $0x278, s1  }
0x6: {  	s7 =	sshll.u32 s1, $0x1;
	s3 =	simm.s32 $0x0;
	s8 =	smul.u32 $0x2780, s5  }
0x7: {  	s7 =	sor.u32 s5, s7;
	[smem:$0x7FF] =	sst s3;
	s5 =	ssub.s32 $0x2, s5  }
0x8: {  	s7 =	smul.u32 $0x2710, s7;
	s9 =	sshrl.u32 s5, $0x1;
	s8 =	sadd.s32 s6, s8  }
0x9: {  	_ =	strace $0x80000047;
	s9 =	ssub.s32 s5, s9;
	s8 =	sshrl.u32 s8, $0x3  }
0xa: {  	s5 =	sadd.s32 s6, s2;
	s7 =	sshrl.u32 s7, $0x3;
	s8 =	sadd.s32 s8, s4  }
0xb: {  	s4 =	sadd.s32 s4, s7;
	s7 =	smax.u32 s9, $0x1;
	s9 =	simm.s32 $0x28A0  }
0xc: {  	v0 =	vimm.f32 $1.000000000e+00;
	v1 =	vimm.f32 $0.0e+00;
	s4 =	sadd.s32 $0xCE40, s4;
	s6 =	sadd.s32 $0x16C00, s8;
	s8 =	simm.s32 $0x1  }
.LBB2_1:
0xd: {  	[tilespmem:s3], [sflag:$0x1] =	stream.linear.gather [hbm4b:s4+s3], $0x2710, $0x38;
	[tilespmem:$0x2D98] =	vst v63  }
0xe: {  	_ =	swait.ge [sflag:s8], $0x2710  }
0xf: {  	[sflag:s8] =	ssyncset.done $0x0  }
0x10: {  	[sflag:s8] =	ssyncadd.s32 $0xFFFFD8F0  }
0x11: {  	[tilespmem:$0x2710] =	vst v0  }
0x12: {  	[tilespmem:$0x2720] =	vst v0  }
0x13: {  	[tilespmem:$0x2730] =	vst v0  }
0x14: {  	[tilespmem:$0x2740] =	vst v0  }
0x15: {  	[tilespmem:$0x2750] =	vst v0  }
0x16: {  	[tilespmem:$0x2760] =	vst v0  }
0x17: {  	[tilespmem:$0x2770] =	vst v0  }
0x18: {  	[tilespmem:$0x2780] =	vst v0  }
0x19: {  	[tilespmem:$0x2790] =	vst v0  }
0x1a: {  	[tilespmem:$0x27A0] =	vst v0  }
0x1b: {  	[tilespmem:$0x27B0] =	vst v0  }
0x1c: {  	[tilespmem:$0x27C0] =	vst v0  }
0x1d: {  	[tilespmem:$0x27D0] =	vst v0  }
0x1e: {  	[tilespmem:$0x27E0] =	vst v0  }
0x1f: {  	[tilespmem:$0x27F0] =	vst v0  }
0x20: {  	[tilespmem:$0x2800] =	vst v0  }
0x21: {  	[tilespmem:$0x2810] =	vst v0  }
0x22: {  	[tilespmem:$0x2820] =	vst v0  }
0x23: {  	[tilespmem:$0x2830] =	vst v0  }
0x24: {  	[tilespmem:$0x2840] =	vst v0  }
0x25: {  	[tilespmem:$0x2850] =	vst v0  }
0x26: {  	[tilespmem:$0x2860] =	vst v0  }
0x27: {  	[tilespmem:$0x2870] =	vst v0  }
0x28: {  	[tilespmem:$0x2880] =	vst v0  }
0x29: {  	[tilespmem:$0x2890] =	vst v0  }
0x2a: {  	[tilespmem:$0x28A0] =	vst v1  }
0x2b: {  	[tilespmem:$0x28B0] =	vst v1  }
0x2c: {  	[tilespmem:$0x28C0] =	vst v1  }
0x2d: {  	[tilespmem:$0x28D0] =	vst v1  }
0x2e: {  	[tilespmem:$0x28E0] =	vst v1  }
0x2f: {  	[tilespmem:$0x28F0] =	vst v1  }
0x30: {  	[tilespmem:$0x2900] =	vst v1  }
0x31: {  	[tilespmem:$0x2910] =	vst v1  }
0x32: {  	[tilespmem:$0x2920] =	vst v1  }
0x33: {  	[tilespmem:$0x2930] =	vst v1  }
0x34: {  	[tilespmem:$0x2940] =	vst v1  }
0x35: {  	[tilespmem:$0x2950] =	vst v1  }
0x36: {  	[tilespmem:$0x2960] =	vst v1  }
0x37: {  	[tilespmem:$0x2970] =	vst v1  }
0x38: {  	[tilespmem:$0x2980] =	vst v1  }
0x39: {  	[tilespmem:$0x2990] =	vst v1  }
0x3a: {  	[tilespmem:$0x29A0] =	vst v1  }
0x3b: {  	[tilespmem:$0x29B0] =	vst v1  }
0x3c: {  	[tilespmem:$0x29C0] =	vst v1  }
0x3d: {  	[tilespmem:$0x29D0] =	vst v1  }
0x3e: {  	[tilespmem:$0x29E0] =	vst v1  }
0x3f: {  	[tilespmem:$0x29F0] =	vst v1  }
0x40: {  	[tilespmem:$0x2A00] =	vst v1  }
0x41: {  	[tilespmem:$0x2A10] =	vst v1  }
0x42: {  	[tilespmem:$0x2A20] =	vst v1  }
0x43: {  	[tilespmem:$0x2A30] =	vst v1  }
0x44: {  	[tilespmem:$0x2A40] =	vst v1  }
0x45: {  	[tilespmem:$0x2A50] =	vst v1  }
0x46: {  	[tilespmem:$0x2A60] =	vst v1  }
0x47: {  	[tilespmem:$0x2A70] =	vst v1  }
0x48: {  	[tilespmem:$0x2A80] =	vst v1  }
0x49: {  	[tilespmem:$0x2A90] =	vst v1  }
0x4a: {  	[tilespmem:$0x2AA0] =	vst v1  }
0x4b: {  	[tilespmem:$0x2AB0] =	vst v1  }
0x4c: {  	[tilespmem:$0x2AC0] =	vst v1  }
0x4d: {  	[tilespmem:$0x2AD0] =	vst v1  }
0x4e: {  	[tilespmem:$0x2AE0] =	vst v1  }
0x4f: {  	[tilespmem:$0x2AF0] =	vst v1  }
0x50: {  	[tilespmem:$0x2B00] =	vst v1  }
0x51: {  	[tilespmem:$0x2B10] =	vst v1  }
0x52: {  	[spmem:s5] =	stream.linear.scatter [tilespmem:s9], [sflag:$0x1], $0x278, $0x38;
	[tilespmem:$0x2D98] =	vst v63  }
0x53: {  	_ =	swait.ge [sflag:s8], $0x278  }
0x54: {  	[sflag:s8] =	ssyncset.done $0x0  }
0x55: {  	[sflag:s8] =	ssyncadd.s32 $0xFFFFFD88  }
0x56: {  	s13 =	simm.s32 $0x0;
	[bflag:$0x0] =	sbarrier.arrive $0xFFFF  }
0x57: {  	[spmem:s2] =	stream.indirect.scatter.add.f32 [tilespmem:s11], [sflag:$0x1], $0x1, s13, s10, $0xb8;
	[tilespmem:$0x2D98] =	vst v63  }
0x58: {  	_ =	swait.ge [sflag:s8], $0x190  }
0x59: {  	s13 =	simm.s32 $0x640;
	[sflag:s8] =	ssyncset.done $0x0  }
.LBB2_2:
0x5a: {  	s14 =	sshra.s32 s13, $0x2;
	[sflag:s8] =	ssyncadd.s32 $0xFFFFFE70;
	p0 =	sne.s32 s13, $0x9600  }
0x5b: {  	[spmem:s2] =	stream.indirect.scatter.add.f32 [tilespmem:s11], [sflag:$0x1], $0x1, s14, s10, $0xb8;
	[tilespmem:$0x2D98] =	vst v63  }
.Ltmp0:
0x5c: {  	_ = 	snop;
	(pc) =	sbr.rel @p0 .LBB2_2-.Ltmp0, $4  }
0x5d: {  	_ = 	snop  }
0x5e: {  	s13 =	sadd.s32 $0x640, s13  }
0x5f: {  	_ =	swait.ge [sflag:s8], $0x190  }
0x60: {  	[sflag:s8] =	ssyncset.done $0x0  }
0x61: {  	[sflag:s8] =	ssyncadd.s32 $0xFFFFFE70  }
0x62: {  	[bflag:$0x0] =	sbarrier.arrive $0xFFFF  }
0x63: {  	[tilespmem:s9], [sflag:$0x1] =	stream.linear.gather [spmem:s5], $0x278, $0x38;
	[tilespmem:$0x2D98] =	vst v63  }
0x64: {  	s12 =	sadd.s32 $0x1, s12;
	_ =	swait.ge [sflag:s8], $0x278  }
0x65: {  	p0 =	sne.s32 s12, s7;
	[sflag:s8] =	ssyncset.done $0x0  }
.Ltmp1:
0x66: {  	[sflag:s8] =	ssyncadd.s32 $0xFFFFFD88;
	(pc) =	sbr.rel @p0 .LBB2_1-.Ltmp1, $4  }
0x67: {  	[hbm4b:s6+s3] =	stream.linear.scatter [tilespmem:s9], [sflag:$0x1], $0x278, $0x38;
	[tilespmem:$0x2D98] =	vst v63  }
0x68: {  	_ =	swait.ge [sflag:s8], $0x278  }
0x69: {  	[sflag:s8] =	ssyncset.done $0x0  }
0x6a: {  	[sflag:s8] =	ssyncadd.s32 $0xFFFFFD88  }
0x6b: {  	_ =	sfence.sel $0x180000  }
0x6c: {  	[bflag:$0x0] =	sbarrier.arrive $0xFFFF  }
0x6d: {  	p0 =	sne.s32 s1, $0x0;
	_ =	strace $0x90000047  }
0x6e: {  	s0 =	sadd.s32 @!p0 $0x100000, s0;
	[bflag:$0x2] =	sbarrier.arrive $0xFFFF  }
0x6f: {  	[sflag:s0] =	ssyncadd.tile.s32 @!p0 $0x1;
	_ =	shalt  }
.Lfunc_end2:
_tile_overlayer_lowered:
.L_overlay_start_2:
0x70: {  	(tag) =	ssettag $0x2  }
0x71: {  	s0 =	rddreg [dreg:$0x0];
	s2 =	stileid.u32  }
0x72: {  	s1 =	rddreg [dreg:$0x1];
	p0 =	sne.s32 s2, $0x0  }
0x73: {  	s3 =	rddreg [dreg:$0x2];
	[bflag:$0x3] =	sbarrier.arrive $0xFFFF;
	s2 =	simm.s32 @!p0 $0x1C01  }
0x74: {  	[timem:s3], [sflag:s2] =	dma.local @!p0 [hbm:s0], s1  }
0x75: {  	s0 =	simm.s32 @!p0 $0x1  }
0x76: {  	_ =	swait.ge @!p0 [sflag:s0], s1  }
0x77: {  	s1 =	ssub.s32 @!p0 $0x0, s1;
	[sflag:s0] =	ssyncset.done @!p0 $0x0  }
0x78: {  	[sflag:s0] =	ssyncadd.s32 @!p0 s1  }
0x79: {  	[bflag:$0x3] =	sbarrier.arrive $0xFFFF  }
0x7a: {  	_ =	shalt  }

</sc_bundles>
